<compile_context>
chip_gen: v7x
topology: tpu7x:2x2x1
jax: 0.10.2.dev20260603
libtpu: 0.0.44.dev20260713+nightly
codegen_flags: <defaults>
</compile_context>

<pallas_src>
import functools

import jax
import jax.numpy as jnp
from jax import lax
from jax.experimental import pallas as pl
from jax.experimental.pallas import tpu as pltpu
from jax.experimental.pallas import tpu_sc as plsc

KEY_SIZE = 32
VALUE_SIZE = 256
QKV_SIZE = 2 * KEY_SIZE + VALUE_SIZE
TOPK = 128


def _ln(x, g, b, eps=1e-5):
    mu = x.mean(-1, keepdims=True)
    var = ((x - mu) ** 2).mean(-1, keepdims=True)
    return (x - mu) / jnp.sqrt(var + eps) * g + b



def _scores_body(c_ref, m_ref, o_ref):
    o_ref[...] = lax.dot_general(
        c_ref[...], m_ref[...], (((1,), (1,)), ((), ())))


def _scores(c, mem_c, interpret=False):
    B, C = c.shape
    N = mem_c.shape[0]
    BB, NB = 256, 4096
    return pl.pallas_call(
        _scores_body,
        grid=(B // BB, pl.cdiv(N, NB)),
        in_specs=[
            pl.BlockSpec((BB, C), lambda i, j: (i, 0)),
            pl.BlockSpec((NB, C), lambda i, j: (j, 0)),
        ],
        out_specs=pl.BlockSpec((BB, NB), lambda i, j: (i, j)),
        out_shape=jax.ShapeDtypeStruct((B, N), jnp.float32),
        interpret=interpret,
    )(c, mem_c)



N_ROW = 50000
NVREG = N_ROW // 16
CAPV = 1024
SAMPLE_VREGS = 32
SAMPLE_K = 6
I32_MASK = 0x7FFFFFFF
MIN_KEY = -2139095040
SUP_KEY = 2139095041
NEG_BIG = -3.0e38


def _key_s(f):
    b = lax.bitcast_convert_type(f, jnp.int32)
    return b ^ ((b >> 31) & I32_MASK)


def _inv_s(kk):
    return lax.bitcast_convert_type(kk ^ ((kk >> 31) & I32_MASK), jnp.float32)


def _avg_s(lo, hi):
    return (lo >> 1) + (hi >> 1) + (lo & hi & 1)


def _iota16():
    return lax.broadcasted_iota(jnp.int32, (16,), 0)


_GD = lax.GatherDimensionNumbers(
    offset_dims=(), collapsed_slice_dims=(0,), start_index_map=(0,))


def _lane_perm(x, perm):
    return lax.gather(x, perm[:, None], _GD, (1,),
                      mode=lax.GatherScatterMode.PROMISE_IN_BOUNDS)


def _lane_sum(x):
    i = _iota16()
    for k in (8, 4, 2, 1):
        x = x + _lane_perm(x, i ^ k)
    return x[0]


def _lane_max(x):
    i = _iota16()
    for k in (8, 4, 2, 1):
        x = jnp.maximum(x, _lane_perm(x, i ^ k))
    return x[0]


def _bisect(count_ge, lo, hi, K):
    def it(_, st):
        lo, hi = st
        m = _avg_s(lo, hi)
        live = jnp.logical_and(m != lo, m != hi)
        c = lax.cond(live, lambda: count_ge(_inv_s(m)),
                     lambda: jnp.int32(-1))
        up = jnp.logical_and(live, c >= K)
        dn = jnp.logical_and(live, c < K)
        return (jnp.where(up, m, lo), jnp.where(dn, m, hi))

    lo, hi = lax.fori_loop(0, 33, it, (lo, hi))
    return lo


def _sc_gather(H_aug, idx_flat, interpret=False):
    NB, D = idx_flat.shape[0], H_aug.shape[1]
    NW = 32
    per_w = NB // NW
    CH = 256
    NCH = per_w // CH
    mesh = plsc.VectorSubcoreMesh(core_axis_name="c", subcore_axis_name="s")

    def body(haug_hbm, idx_hbm, g_hbm, idx_v, rows_v, sem):
        wid = lax.axis_index("s") * 2 + lax.axis_index("c")
        base = wid * per_w

        def ch_body(j, carry):
            off = base + j * CH
            pltpu.sync_copy(idx_hbm.at[pl.ds(off, CH)], idx_v)
            pltpu.async_copy(haug_hbm.at[idx_v], rows_v, sem).wait()
            pltpu.sync_copy(rows_v, g_hbm.at[pl.ds(off, CH)])
            return carry

        lax.fori_loop(0, NCH, ch_body, jnp.int32(0))

    run = pl.kernel(
        body,
        mesh=mesh,
        out_type=jax.ShapeDtypeStruct((NB, D), jnp.float32),
        scratch_types=[
            pltpu.VMEM((CH,), jnp.int32),
            pltpu.VMEM((CH, D), jnp.float32),
            pltpu.SemaphoreType.DMA,
        ],
    )
    return run(H_aug, idx_flat)



def _dense_body(vals_ref, g_ref, Wq_ref, bq_ref, lng_ref, lnb_ref,
                lnmg_ref, lnmb_ref, W1_ref, b1_ref, W2_ref, b2_ref,
                Wp1_ref, bp1_ref, Wp2_ref, bp2_ref, o_ref):
    RB = o_ref.shape[0]
    S = TOPK
    vals = vals_ref[...]
    G = g_ref[...]
    selr = lax.broadcasted_iota(jnp.int32, (RB * S, RB), 0) // S
    selc = lax.broadcasted_iota(jnp.int32, (RB * S, RB), 1)
    A_sel = (selr == selc).astype(jnp.float32)
    vals_b = jnp.dot(A_sel, vals)
    dj = lax.broadcasted_iota(jnp.int32, (RB * S, S), 0) % S
    dsj = lax.broadcasted_iota(jnp.int32, (RB * S, S), 1)
    vflat = jnp.sum(vals_b * (dj == dsj).astype(jnp.float32),
                    axis=1, keepdims=True)
    e0 = (lax.broadcasted_iota(jnp.int32, (1, VALUE_SIZE), 1) == 0)
    meta = G + vflat * e0.astype(jnp.float32)
    qkv = jnp.dot(meta, Wq_ref[...]) + bq_ref[...]
    qkv = _ln(qkv, lng_ref[...], lnb_ref[...])
    q = qkv[:, :KEY_SIZE] * (KEY_SIZE ** -0.5)
    kk = qkv[:, KEY_SIZE:2 * KEY_SIZE]
    v = qkv[:, 2 * KEY_SIZE:]
    att = []
    for r in range(RB):
        sl = slice(r * S, (r + 1) * S)
        dot = lax.dot_general(q[sl], kk[sl], (((1,), (1,)), ((), ())))
        w = jax.nn.softmax(dot, axis=-1)
        att.append(jnp.dot(w, v[sl]))
    att = jnp.concatenate(att, axis=0)
    m = _ln(meta + att, lnmg_ref[...], lnmb_ref[...])
    mlp = jnp.dot(jnp.maximum(jnp.dot(m, W1_ref[...]) + b1_ref[...], 0.0),
                  W2_ref[...]) + b2_ref[...]
    m2 = _ln(mlp + m, lnmg_ref[...], lnmb_ref[...])
    rows = lax.broadcasted_iota(jnp.int32, (RB, RB * S), 0)
    cols = lax.broadcasted_iota(jnp.int32, (RB, RB * S), 1)
    A = (cols // S == rows).astype(jnp.float32) * (1.0 / S)
    mmean = jnp.dot(A, m2)
    cp = jnp.dot(jnp.maximum(jnp.dot(mmean, Wp1_ref[...]) + bp1_ref[...], 0.0),
                 Wp2_ref[...]) + bp2_ref[...]
    o_ref[...] = cp


def _dense(vals, G, Wqkv, bqkv, ln_g, ln_b, lnm_g, lnm_b,
           W1, b1, W2, b2, Wp1, bp1, Wp2, bp2, interpret=False):
    B = G.shape[0] // TOPK
    RB = 8
    r2 = lambda x: x.reshape(1, -1)

    def full(a):
        nd = a.ndim
        return pl.BlockSpec(a.shape, lambda i, _nd=nd: (0,) * _nd)

    args = (vals, G, Wqkv, r2(bqkv), r2(ln_g), r2(ln_b), r2(lnm_g),
            r2(lnm_b), W1, r2(b1), W2, r2(b2), Wp1, r2(bp1), Wp2, r2(bp2))
    in_specs = [
        pl.BlockSpec((RB, TOPK), lambda i: (i, 0)),
        pl.BlockSpec((RB * TOPK, VALUE_SIZE), lambda i: (i, 0)),
    ] + [full(a) for a in args[2:]]
    return pl.pallas_call(
        _dense_body,
        grid=(B // RB,),
        in_specs=in_specs,
        out_specs=pl.BlockSpec((RB, VALUE_SIZE), lambda i: (i, 0)),
        out_shape=jax.ShapeDtypeStruct((B, VALUE_SIZE), jnp.float32),
        interpret=interpret,
    )(*args)



def kernel(c, k, mem_c, mem_t, mem_h, Wqkv, bqkv, ln_g, ln_b, lnm_g, lnm_b,
           W1, b1, W2, b2, Wp1, bp1, Wp2, bp2, interpret=False):
    del k
    N = mem_c.shape[0]
    deltas = _scores(c, mem_c, interpret=interpret)
    H_aug = jnp.concatenate(
        [jnp.zeros((N, 1), jnp.float32), mem_t, mem_h], axis=1)
    vals, idx = lax.top_k(deltas, TOPK)
    G = _sc_gather(H_aug, idx.reshape(-1), interpret=interpret)
    return _dense(vals, G, Wqkv, bqkv, ln_g, ln_b, lnm_g, lnm_b,
                  W1, b1, W2, b2, Wp1, bp1, Wp2, bp2, interpret=interpret)

# --- scband reference (transcript-rebuilt; emitter-appended) ---
"""Pipeline reference for scband-memory-6468220747783 (READ-ONLY COPY).

The authoritative reference and input builder live on the scoring server;
editing this copy changes nothing except your own understanding.
"""

import jax, jax.numpy as jnp
import numpy as np

KEY_SIZE = 32
VALUE_SIZE = 256
QKV_SIZE = 2 * KEY_SIZE + VALUE_SIZE


def layer_norm(x, g, b, eps=1e-5):
    mu = x.mean(-1, keepdims=True)
    var = ((x - mu) ** 2).mean(-1, keepdims=True)
    return (x - mu) / jnp.sqrt(var + eps) * g + b


def setup_inputs(seed: int = 0):
    key = jax.random.key(seed)
    ks = jax.random.split(key, 12)
    B, N, C, H = 1024, 50000, 256, 254
    s = 0.02
    inp = {}
    inp['c'] = jax.random.normal(ks[0], (B, C), jnp.float32)
    inp['k'] = 128
    inp['mem_c'] = jax.random.normal(ks[1], (N, C), jnp.float32)
    inp['mem_t'] = jax.random.uniform(ks[2], (N, 1), jnp.float32)
    inp['mem_h'] = jax.random.normal(ks[3], (N, H), jnp.float32)
    inp['Wqkv'] = jax.random.normal(ks[4], (VALUE_SIZE, QKV_SIZE), jnp.float32) * s
    inp['bqkv'] = jnp.zeros((QKV_SIZE,), jnp.float32)
    inp['ln_g'] = jnp.ones((QKV_SIZE,), jnp.float32)
    inp['ln_b'] = jnp.zeros((QKV_SIZE,), jnp.float32)
    inp['lnm_g'] = jnp.ones((VALUE_SIZE,), jnp.float32)
    inp['lnm_b'] = jnp.zeros((VALUE_SIZE,), jnp.float32)
    inp['W1'] = jax.random.normal(ks[5], (VALUE_SIZE, VALUE_SIZE), jnp.float32) * s
    inp['b1'] = jnp.zeros((VALUE_SIZE,), jnp.float32)
    inp['W2'] = jax.random.normal(ks[6], (VALUE_SIZE, VALUE_SIZE), jnp.float32) * s
    inp['b2'] = jnp.zeros((VALUE_SIZE,), jnp.float32)
    inp['Wp1'] = jax.random.normal(ks[7], (VALUE_SIZE, VALUE_SIZE), jnp.float32) * s
    inp['bp1'] = jnp.zeros((VALUE_SIZE,), jnp.float32)
    inp['Wp2'] = jax.random.normal(ks[8], (VALUE_SIZE, VALUE_SIZE), jnp.float32) * s
    inp['bp2'] = jnp.zeros((VALUE_SIZE,), jnp.float32)
    return inp


def reference(c, k, mem_c, mem_t, mem_h, Wqkv, bqkv, ln_g, ln_b, lnm_g, lnm_b, W1, b1, W2, b2, Wp1, bp1, Wp2, bp2):
    # _query: delta(c, memory_c) modeled as dot-product similarity; top-k retrieval
    deltas = c @ mem_c.T                                   # [B, N]
    deltas = deltas + (k - k)
    vals, idx = jax.lax.top_k(deltas, 128)                 # [B, k]
    # metadata = cat(deltas, t[indices], h[indices]) -> value_size = 1 + 1 + 254 = 256
    metadata = jnp.concatenate([vals[..., None], mem_t[idx], mem_h[idx]], axis=2)
    # _mhdpa: multi-head dot-product attention over retrieved slots
    qkv = metadata @ Wqkv + bqkv
    qkv = layer_norm(qkv, ln_g, ln_b)
    B, S = metadata.shape[0], metadata.shape[1]
    qkv = qkv.reshape(B, S, 1, QKV_SIZE).transpose(0, 2, 1, 3)
    q = qkv[..., :KEY_SIZE] * (KEY_SIZE ** -0.5)
    kk = qkv[..., KEY_SIZE:2 * KEY_SIZE]
    v = qkv[..., 2 * KEY_SIZE:]
    dot = q @ kk.transpose(0, 1, 3, 2)
    w = jax.nn.softmax(dot, axis=-1)
    attended = (w @ v).transpose(0, 2, 1, 3).reshape(B, S, VALUE_SIZE)
    # _attend_over_metadata: residual + LN + MLP + LN + mean + project_output
    m = layer_norm(metadata + attended, lnm_g, lnm_b)
    mlp = jax.nn.relu(m @ W1 + b1) @ W2 + b2
    m = layer_norm(mlp + m, lnm_g, lnm_b)
    m = m.mean(axis=1)
    c_prime = jax.nn.relu(m @ Wp1 + bp1) @ Wp2 + bp2
    return c_prime

if __name__ == "__main__":
    import jax
    _d = setup_inputs()
    print(jax.jit(kernel)(*tuple(_d.values())))

</pallas_src>

<mosaic_0001>
#map = affine_map<(d0, d1) -> (0, 0)>
#map1 = affine_map<(d0, d1) -> (0)>
module attributes {stable_mosaic.version = 14 : i64} {
  func.func @body(%arg0: i32, %arg1: i32, %arg2: memref<50000x256xf32, #tpu.memory_space<hbm>>, %arg3: memref<131072xi32, #tpu.memory_space<hbm>>, %arg4: memref<131072x256xf32, #tpu.memory_space<hbm>>, %arg5: memref<256xi32, #tpu.memory_space<vmem>>, %arg6: memref<256x256xf32, #tpu.memory_space<vmem>>, %arg7: memref<!tpu.dma_semaphore, #tpu.memory_space<semaphore_mem>>) attributes {dimension_semantics = [#tpu.dimension_semantics<core_parallel>, #tpu.dimension_semantics<subcore_parallel>], iteration_bounds = array<i64: 2, 16>, scalar_prefetch = 0 : i64, scratch_operands = 3 : i64, tpu.core_type = #tpu.core_type<sc_vector_subcore>, window_params = [{transform_indices = #map}, {transform_indices = #map1}, {transform_indices = #map}]} {
    %mul3A = arith.constant 2 : i32
    %mul3A_0 = arith.muli %arg1, %mul3A : i32
    %add3A = arith.addi %mul3A_0, %arg0 : i32
    %mul3A_1 = arith.constant 4096 : i32
    %mul3A_2 = arith.muli %add3A, %mul3A_1 : i32
    %scan3A = arith.constant 0 : i32
    %scan3A_3 = arith.constant 0 : i32
    %scan3A_4 = arith.constant 16 : i32
    %scan3A_5 = arith.addi %scan3A_3, %scan3A_4 : i32
    %scan3A_6 = arith.constant 1 : i32
    scf.for %scan3A_8 = %scan3A_3 to %scan3A_5 step %scan3A_6  : i32 {
      %mul3A_9 = arith.constant 256 : i32
      %mul3A_10 = arith.muli %scan3A_8, %mul3A_9 : i32
      %add3A_11 = arith.addi %mul3A_2, %mul3A_10 : i32
      "tpu.region"() ({
        %run_scoped3A = tpu.sem_alloc : memref<!tpu.dma_semaphore, #tpu.memory_space<semaphore_mem>>
        %dma_start3A_16 = tpu.memref_slice %arg3[%add3A_11] : memref<131072xi32, #tpu.memory_space<hbm>> -> memref<256xi32, #tpu.memory_space<hbm>>
        %dma_start3A_17 = tpu.memref_slice %arg3[%add3A_11] : memref<131072xi32, #tpu.memory_space<hbm>> -> memref<256xi32, #tpu.memory_space<hbm>>
        tpu.enqueue_dma source(%dma_start3A_17 : memref<256xi32, #tpu.memory_space<hbm>>) target(%arg5 : memref<256xi32, #tpu.memory_space<vmem>>) target_semaphore(%run_scoped3A : memref<!tpu.dma_semaphore, #tpu.memory_space<semaphore_mem>>)
        %dma_wait3A_18 = tpu.memref_slice %arg3[%add3A_11] : memref<131072xi32, #tpu.memory_space<hbm>> -> memref<256xi32, #tpu.memory_space<hbm>>
        %dma_wait3A_19 = tpu.memref_slice %arg3[%add3A_11] : memref<131072xi32, #tpu.memory_space<hbm>> -> memref<256xi32, #tpu.memory_space<hbm>>
        tpu.wait_dma2 semaphore(%run_scoped3A : memref<!tpu.dma_semaphore, #tpu.memory_space<semaphore_mem>>) src(%dma_wait3A_19 : memref<256xi32, #tpu.memory_space<hbm>>) dst(%arg5 : memref<256xi32, #tpu.memory_space<vmem>>)
        tpu.yield
      }) : () -> ()
      %dma_start3A = arith.constant 0 : i32
      %dma_start3A_12 = arith.constant 0 : i32
      %dma_start3A_13 = tpu.memref_slice %arg2[%dma_start3A, %dma_start3A_12] : memref<50000x256xf32, #tpu.memory_space<hbm>> -> memref<50000x256xf32, #tpu.memory_space<hbm>>
      tpu.enqueue_indirect_dma source(%dma_start3A_13 : memref<50000x256xf32, #tpu.memory_space<hbm>>) target(%arg6 : memref<256x256xf32, #tpu.memory_space<vmem>>) offsets(%arg5 : memref<256xi32, #tpu.memory_space<vmem>>) semaphore(%arg7 : memref<!tpu.dma_semaphore, #tpu.memory_space<semaphore_mem>>)
      %dma_wait3A = arith.constant 0 : i32
      %dma_wait3A_14 = arith.constant 0 : i32
      %dma_wait3A_15 = tpu.memref_slice %arg2[%dma_wait3A, %dma_wait3A_14] : memref<50000x256xf32, #tpu.memory_space<hbm>> -> memref<50000x256xf32, #tpu.memory_space<hbm>>
      tpu.wait_indirect_dma semaphore(%arg7 : memref<!tpu.dma_semaphore, #tpu.memory_space<semaphore_mem>>) src(%dma_wait3A_15 : memref<50000x256xf32, #tpu.memory_space<hbm>>) dst(%arg6 : memref<256x256xf32, #tpu.memory_space<vmem>>)
      "tpu.region"() ({
        %run_scoped3A = tpu.sem_alloc : memref<!tpu.dma_semaphore, #tpu.memory_space<semaphore_mem>>
        %dma_start3A_16 = arith.constant 0 : i32
        %dma_start3A_17 = tpu.memref_slice %arg4[%add3A_11, %dma_start3A_16] : memref<131072x256xf32, #tpu.memory_space<hbm>> -> memref<256x256xf32, #tpu.memory_space<hbm>>
        %dma_start3A_18 = arith.constant 0 : i32
        %dma_start3A_19 = tpu.memref_slice %arg4[%add3A_11, %dma_start3A_18] : memref<131072x256xf32, #tpu.memory_space<hbm>> -> memref<256x256xf32, #tpu.memory_space<hbm>>
        tpu.enqueue_dma source(%arg6 : memref<256x256xf32, #tpu.memory_space<vmem>>) target(%dma_start3A_19 : memref<256x256xf32, #tpu.memory_space<hbm>>) target_semaphore(%run_scoped3A : memref<!tpu.dma_semaphore, #tpu.memory_space<semaphore_mem>>)
        %dma_wait3A_20 = arith.constant 0 : i32
        %dma_wait3A_21 = tpu.memref_slice %arg4[%add3A_11, %dma_wait3A_20] : memref<131072x256xf32, #tpu.memory_space<hbm>> -> memref<256x256xf32, #tpu.memory_space<hbm>>
        %dma_wait3A_22 = arith.constant 0 : i32
        %dma_wait3A_23 = tpu.memref_slice %arg4[%add3A_11, %dma_wait3A_22] : memref<131072x256xf32, #tpu.memory_space<hbm>> -> memref<256x256xf32, #tpu.memory_space<hbm>>
        tpu.wait_dma2 semaphore(%run_scoped3A : memref<!tpu.dma_semaphore, #tpu.memory_space<semaphore_mem>>) src(%arg6 : memref<256x256xf32, #tpu.memory_space<vmem>>) dst(%dma_wait3A_23 : memref<256x256xf32, #tpu.memory_space<hbm>>)
        tpu.yield
      }) : () -> ()
    }
    %scan3A_7 = arith.constant 16 : i32
    return
  }
}

module attributes {stable_mosaic.version = 14 : i64} {
  func.func @_scores_body(%arg0: i32, %arg1: i32, %arg2: memref<256x256xf32, #tpu.memory_space<vmem>>, %arg3: memref<4096x256xf32, #tpu.memory_space<vmem>>, %arg4: memref<256x4096xf32, #tpu.memory_space<vmem>>) attributes {dimension_semantics = [#tpu.dimension_semantics<arbitrary>, #tpu.dimension_semantics<arbitrary>], iteration_bounds = array<i64: 4, 13>, scalar_prefetch = 0 : i64, scratch_operands = 0 : i64, tpu.core_type = #tpu.core_type<tc>, window_params = [{transform_indices = @transform_0, window_bounds = array<i64: 256, 256>}, {transform_indices = @transform_1, window_bounds = array<i64: 4096, 256>}, {transform_indices = @transform_2, window_bounds = array<i64: 256, 4096>}]} {
    %get3A = arith.constant 0 : index
    %get3A_0 = arith.constant 0 : index
    %get3A_1 = vector.load %arg2[%get3A, %get3A_0] : memref<256x256xf32, #tpu.memory_space<vmem>>, vector<256x256xf32>
    %get3A_2 = arith.constant 0 : index
    %get3A_3 = arith.constant 0 : index
    %get3A_4 = vector.load %arg3[%get3A_2, %get3A_3] : memref<4096x256xf32, #tpu.memory_space<vmem>>, vector<4096x256xf32>
    %dot_general3A = arith.constant dense<0.000000e+00> : vector<256x4096xf32>
    %dot_general3A_5 = tpu.matmul %get3A_1, %get3A_4, %dot_general3A {dimension_numbers = #tpu.dot_dimension_numbers<[1], [1], [0], [0], [0, 0, 1, 0], [], []>, transpose_lhs_hint = false} : vector<256x256xf32>, vector<4096x256xf32>, vector<256x4096xf32> -> vector<256x4096xf32>
    %swap3A = arith.constant 0 : index
    %swap3A_6 = arith.constant 0 : index
    %swap3A_7 = vector.load %arg4[%swap3A, %swap3A_6] : memref<256x4096xf32, #tpu.memory_space<vmem>>, vector<256x4096xf32>
    tpu.vector_store %arg4[%swap3A, %swap3A_6], %dot_general3A_5 {strides = array<i32>} : memref<256x4096xf32, #tpu.memory_space<vmem>>, vector<256x4096xf32>,
    return
  }
  func.func @transform_0(%arg0: i32, %arg1: i32) -> (i32, i32) {
    %c0_i32 = arith.constant 0 : i32
    %c0_i32_0 = arith.constant 0 : i32
    return %arg0, %c0_i32 : i32, i32
  }
  func.func @transform_1(%arg0: i32, %arg1: i32) -> (i32, i32) {
    %c0_i32 = arith.constant 0 : i32
    %c0_i32_0 = arith.constant 0 : i32
    return %arg1, %c0_i32 : i32, i32
  }
  func.func @transform_2(%arg0: i32, %arg1: i32) -> (i32, i32) {
    %c0_i32 = arith.constant 0 : i32
    return %arg0, %arg1 : i32, i32
  }
}

module attributes {stable_mosaic.version = 14 : i64} {
  func.func @_dense_body(%arg0: i32, %arg1: memref<8x128xf32, #tpu.memory_space<vmem>>, %arg2: memref<1024x256xf32, #tpu.memory_space<vmem>>, %arg3: memref<256x320xf32, #tpu.memory_space<vmem>>, %arg4: memref<1x320xf32, #tpu.memory_space<vmem>>, %arg5: memref<1x320xf32, #tpu.memory_space<vmem>>, %arg6: memref<1x320xf32, #tpu.memory_space<vmem>>, %arg7: memref<1x256xf32, #tpu.memory_space<vmem>>, %arg8: memref<1x256xf32, #tpu.memory_space<vmem>>, %arg9: memref<256x256xf32, #tpu.memory_space<vmem>>, %arg10: memref<1x256xf32, #tpu.memory_space<vmem>>, %arg11: memref<256x256xf32, #tpu.memory_space<vmem>>, %arg12: memref<1x256xf32, #tpu.memory_space<vmem>>, %arg13: memref<256x256xf32, #tpu.memory_space<vmem>>, %arg14: memref<1x256xf32, #tpu.memory_space<vmem>>, %arg15: memref<256x256xf32, #tpu.memory_space<vmem>>, %arg16: memref<1x256xf32, #tpu.memory_space<vmem>>, %arg17: memref<8x256xf32, #tpu.memory_space<vmem>>) attributes {dimension_semantics = [#tpu.dimension_semantics<arbitrary>], iteration_bounds = array<i64: 128>, scalar_prefetch = 0 : i64, scratch_operands = 0 : i64, tpu.core_type = #tpu.core_type<tc>, window_params = [{transform_indices = @transform_0, window_bounds = array<i64: 8, 128>}, {transform_indices = @transform_1, window_bounds = array<i64: 1024, 256>}, {pipeline_mode = #tpu.pipeline_mode<synchronous>, transform_indices = @transform_2, window_bounds = array<i64: 256, 320>}, {pipeline_mode = #tpu.pipeline_mode<synchronous>, transform_indices = @transform_3, window_bounds = array<i64: 1, 320>}, {pipeline_mode = #tpu.pipeline_mode<synchronous>, transform_indices = @transform_4, window_bounds = array<i64: 1, 320>}, {pipeline_mode = #tpu.pipeline_mode<synchronous>, transform_indices = @transform_5, window_bounds = array<i64: 1, 320>}, {pipeline_mode = #tpu.pipeline_mode<synchronous>, transform_indices = @transform_6, window_bounds = array<i64: 1, 256>}, {pipeline_mode = #tpu.pipeline_mode<synchronous>, transform_indices = @transform_7, window_bounds = array<i64: 1, 256>}, {pipeline_mode = #tpu.pipeline_mode<synchronous>, transform_indices = @transform_8, window_bounds = array<i64: 256, 256>}, {pipeline_mode = #tpu.pipeline_mode<synchronous>, transform_indices = @transform_9, window_bounds = array<i64: 1, 256>}, {pipeline_mode = #tpu.pipeline_mode<synchronous>, transform_indices = @transform_10, window_bounds = array<i64: 256, 256>}, {pipeline_mode = #tpu.pipeline_mode<synchronous>, transform_indices = @transform_11, window_bounds = array<i64: 1, 256>}, {pipeline_mode = #tpu.pipeline_mode<synchronous>, transform_indices = @transform_12, window_bounds = array<i64: 256, 256>}, {pipeline_mode = #tpu.pipeline_mode<synchronous>, transform_indices = @transform_13, window_bounds = array<i64: 1, 256>}, {pipeline_mode = #tpu.pipeline_mode<synchronous>, transform_indices = @transform_14, window_bounds = array<i64: 256, 256>}, {pipeline_mode = #tpu.pipeline_mode<synchronous>, transform_indices = @transform_15, window_bounds = array<i64: 1, 256>}, {transform_indices = @transform_16, window_bounds = array<i64: 8, 256>}]} {
    %get3A = arith.constant 0 : index
    %get3A_0 = arith.constant 0 : index
    %get3A_1 = vector.load %arg1[%get3A, %get3A_0] : memref<8x128xf32, #tpu.memory_space<vmem>>, vector<8x128xf32>
    %get3A_2 = arith.constant 0 : index
    %get3A_3 = arith.constant 0 : index
    %get3A_4 = vector.load %arg2[%get3A_2, %get3A_3] : memref<1024x256xf32, #tpu.memory_space<vmem>>, vector<1024x256xf32>
    %iota3A = tpu.iota {dimensions = array<i32: 0>} : vector<1024x8xi32>
    %jit3A = arith.constant 128 : i32
    %div3A = vector.broadcast %jit3A : i32 to vector<1024x8xi32>
    %div3A_5 = arith.divsi %iota3A, %div3A : vector<1024x8xi32>
    %sign3A = arith.constant 0 : i32
    %sign3A_6 = vector.broadcast %sign3A : i32 to vector<1024x8xi32>
    %sign3A_7 = arith.cmpi sgt, %iota3A, %sign3A_6 : vector<1024x8xi32>
    %sign3A_8 = arith.extui %sign3A_7 : vector<1024x8xi1> to vector<1024x8xi32>
    %sign3A_9 = arith.constant 0 : i32
    %sign3A_10 = vector.broadcast %sign3A_9 : i32 to vector<1024x8xi32>
    %sign3A_11 = arith.cmpi slt, %iota3A, %sign3A_10 : vector<1024x8xi32>
    %sign3A_12 = arith.extui %sign3A_11 : vector<1024x8xi1> to vector<1024x8xi32>
    %sign3A_13 = arith.subi %sign3A_8, %sign3A_12 : vector<1024x8xi32>
    %sign3A_14 = arith.constant 0 : i32
    %sign3A_15 = arith.cmpi sgt, %jit3A, %sign3A_14 : i32
    %sign3A_16 = arith.extui %sign3A_15 : i1 to i32
    %sign3A_17 = arith.constant 0 : i32
    %sign3A_18 = arith.cmpi slt, %jit3A, %sign3A_17 : i32
    %sign3A_19 = arith.extui %sign3A_18 : i1 to i32
    %sign3A_20 = arith.subi %sign3A_16, %sign3A_19 : i32
    %ne3A = vector.broadcast %sign3A_20 : i32 to vector<1024x8xi32>
    %ne3A_21 = arith.cmpi ne, %sign3A_13, %ne3A : vector<1024x8xi32>
    %rem3A = vector.broadcast %jit3A : i32 to vector<1024x8xi32>
    %rem3A_22 = arith.remsi %iota3A, %rem3A : vector<1024x8xi32>
    %ne3A_23 = arith.constant 0 : i32
    %ne3A_24 = vector.broadcast %ne3A_23 : i32 to vector<1024x8xi32>
    %ne3A_25 = arith.cmpi ne, %rem3A_22, %ne3A_24 : vector<1024x8xi32>
    %and3A = arith.andi %ne3A_21, %ne3A_25 : vector<1024x8xi1>
    %sub3A = arith.constant 1 : i32
    %sub3A_26 = vector.broadcast %sub3A : i32 to vector<1024x8xi32>
    %sub3A_27 = arith.subi %div3A_5, %sub3A_26 : vector<1024x8xi32>
    %select_n3A = arith.select %and3A, %sub3A_27, %div3A_5 : vector<1024x8xi1>, vector<1024x8xi32>
    %iota3A_28 = tpu.iota {dimensions = array<i32: 1>} : vector<1024x8xi32>
    %eq3A = arith.cmpi eq, %select_n3A, %iota3A_28 : vector<1024x8xi32>
    %convert_element_type3A = arith.extui %eq3A : vector<1024x8xi1> to vector<1024x8xi32>
    %convert_element_type3A_29 = arith.sitofp %convert_element_type3A : vector<1024x8xi32> to vector<1024x8xf32>
    %dot_general3A = arith.constant dense<0.000000e+00> : vector<1024x128xf32>
    %dot_general3A_30 = tpu.matmul %convert_element_type3A_29, %get3A_1, %dot_general3A {dimension_numbers = #tpu.dot_dimension_numbers<[1], [0], [0], [1], [0, 0, 1, 1], [], []>, transpose_lhs_hint = false} : vector<1024x8xf32>, vector<8x128xf32>, vector<1024x128xf32> -> vector<1024x128xf32>
    %iota3A_31 = tpu.iota {dimensions = array<i32: 0>} : vector<1024x128xi32>
    %jit3A_32 = arith.constant 128 : i32
    %eq3A_33 = arith.constant 0 : i32
    %eq3A_34 = arith.cmpi eq, %jit3A_32, %eq3A_33 : i32
    %jit3A_35 = arith.constant 1 : i32
    %select_n3A_36 = arith.select %eq3A_34, %jit3A_35, %jit3A_32 : i32
    %rem3A_37 = vector.broadcast %select_n3A_36 : i32 to vector<1024x128xi32>
    %rem3A_38 = arith.remsi %iota3A_31, %rem3A_37 : vector<1024x128xi32>
    %ne3A_39 = arith.constant 0 : i32
    %ne3A_40 = vector.broadcast %ne3A_39 : i32 to vector<1024x128xi32>
    %ne3A_41 = arith.cmpi ne, %rem3A_38, %ne3A_40 : vector<1024x128xi32>
    %lt3A = arith.constant 0 : i32
    %lt3A_42 = vector.broadcast %lt3A : i32 to vector<1024x128xi32>
    %lt3A_43 = arith.cmpi slt, %rem3A_38, %lt3A_42 : vector<1024x128xi32>
    %lt3A_44 = arith.constant 0 : i32
    %lt3A_45 = arith.cmpi slt, %select_n3A_36, %lt3A_44 : i32
    %ne3A_46 = vector.broadcast %lt3A_45 : i1 to vector<1024x128xi1>
    %ne3A_47 = vector.broadcast %ne3A_46 : vector<1024x128xi1> to vector<1024x128xi1>
    %ne3A_48 = arith.xori %lt3A_43, %ne3A_47 : vector<1024x128xi1>
    %and3A_49 = arith.andi %ne3A_48, %ne3A_41 : vector<1024x128xi1>
    %add3A = vector.broadcast %select_n3A_36 : i32 to vector<1024x128xi32>
    %add3A_50 = arith.addi %rem3A_38, %add3A : vector<1024x128xi32>
    %select_n3A_51 = arith.select %and3A_49, %add3A_50, %rem3A_38 : vector<1024x128xi1>, vector<1024x128xi32>
    %iota3A_52 = tpu.iota {dimensions = array<i32: 1>} : vector<1024x128xi32>
    %eq3A_53 = arith.cmpi eq, %select_n3A_51, %iota3A_52 : vector<1024x128xi32>
    %convert_element_type3A_54 = arith.extui %eq3A_53 : vector<1024x128xi1> to vector<1024x128xi32>
    %convert_element_type3A_55 = arith.sitofp %convert_element_type3A_54 : vector<1024x128xi32> to vector<1024x128xf32>
    %mul3A = arith.mulf %dot_general3A_30, %convert_element_type3A_55 : vector<1024x128xf32>
    %reduce_sum3A = arith.constant dense<0.000000e+00> : vector<1024xf32>
    %reduce_sum3A_56 = vector.multi_reduction <add>, %mul3A, %reduce_sum3A [1] : vector<1024x128xf32> to vector<1024xf32>
    %broadcast_in_dim3A = vector.shape_cast %reduce_sum3A_56 : vector<1024xf32> to vector<1024x1xf32>
    %iota3A_57 = tpu.iota {dimensions = array<i32: 1>} : vector<1x256xi32>
    %eq3A_58 = arith.constant 0 : i32
    %eq3A_59 = vector.broadcast %eq3A_58 : i32 to vector<1x256xi32>
    %eq3A_60 = arith.cmpi eq, %iota3A_57, %eq3A_59 : vector<1x256xi32>
    %convert_element_type3A_61 = arith.extui %eq3A_60 : vector<1x256xi1> to vector<1x256xi32>
    %convert_element_type3A_62 = arith.sitofp %convert_element_type3A_61 : vector<1x256xi32> to vector<1x256xf32>
    %mul3A_63 = vector.broadcast %broadcast_in_dim3A : vector<1024x1xf32> to vector<1024x256xf32>
    %mul3A_64 = vector.broadcast %convert_element_type3A_62 : vector<1x256xf32> to vector<1024x256xf32>
    %mul3A_65 = arith.mulf %mul3A_63, %mul3A_64 : vector<1024x256xf32>
    %add3A_66 = arith.addf %get3A_4, %mul3A_65 : vector<1024x256xf32>
    %get3A_67 = arith.constant 0 : index
    %get3A_68 = arith.constant 0 : index
    %get3A_69 = vector.load %arg3[%get3A_67, %get3A_68] : memref<256x320xf32, #tpu.memory_space<vmem>>, vector<256x320xf32>
    %dot_general3A_70 = arith.constant dense<0.000000e+00> : vector<1024x320xf32>
    %dot_general3A_71 = tpu.matmul %add3A_66, %get3A_69, %dot_general3A_70 {dimension_numbers = #tpu.dot_dimension_numbers<[1], [0], [0], [1], [0, 0, 1, 1], [], []>, transpose_lhs_hint = false} : vector<1024x256xf32>, vector<256x320xf32>, vector<1024x320xf32> -> vector<1024x320xf32>
    %get3A_72 = arith.constant 0 : index
    %get3A_73 = arith.constant 0 : index
    %get3A_74 = vector.load %arg4[%get3A_72, %get3A_73] : memref<1x320xf32, #tpu.memory_space<vmem>>, vector<1x320xf32>
    %add3A_75 = vector.broadcast %get3A_74 : vector<1x320xf32> to vector<1024x320xf32>
    %add3A_76 = arith.addf %dot_general3A_71, %add3A_75 : vector<1024x320xf32>
    %get3A_77 = arith.constant 0 : index
    %get3A_78 = arith.constant 0 : index
    %get3A_79 = vector.load %arg5[%get3A_77, %get3A_78] : memref<1x320xf32, #tpu.memory_space<vmem>>, vector<1x320xf32>
    %get3A_80 = arith.constant 0 : index
    %get3A_81 = arith.constant 0 : index
    %get3A_82 = vector.load %arg6[%get3A_80, %get3A_81] : memref<1x320xf32, #tpu.memory_space<vmem>>, vector<1x320xf32>
    %reduce_sum3A_83 = arith.constant dense<0.000000e+00> : vector<1024xf32>
    %reduce_sum3A_84 = vector.multi_reduction <add>, %add3A_76, %reduce_sum3A_83 [1] : vector<1024x320xf32> to vector<1024xf32>
    %broadcast_in_dim3A_85 = vector.shape_cast %reduce_sum3A_84 : vector<1024xf32> to vector<1024x1xf32>
    %div3A_86 = arith.constant 3.200000e+02 : f32
    %div3A_87 = vector.broadcast %div3A_86 : f32 to vector<1024x1xf32>
    %div3A_88 = arith.divf %broadcast_in_dim3A_85, %div3A_87 : vector<1024x1xf32>
    %sub3A_89 = vector.broadcast %div3A_88 : vector<1024x1xf32> to vector<1024x320xf32>
    %sub3A_90 = arith.subf %add3A_76, %sub3A_89 : vector<1024x320xf32>
    %integer_pow3A = arith.mulf %sub3A_90, %sub3A_90 : vector<1024x320xf32>
    %reduce_sum3A_91 = arith.constant dense<0.000000e+00> : vector<1024xf32>
    %reduce_sum3A_92 = vector.multi_reduction <add>, %integer_pow3A, %reduce_sum3A_91 [1] : vector<1024x320xf32> to vector<1024xf32>
    %broadcast_in_dim3A_93 = vector.shape_cast %reduce_sum3A_92 : vector<1024xf32> to vector<1024x1xf32>
    %div3A_94 = arith.constant 3.200000e+02 : f32
    %div3A_95 = vector.broadcast %div3A_94 : f32 to vector<1024x1xf32>
    %div3A_96 = arith.divf %broadcast_in_dim3A_93, %div3A_95 : vector<1024x1xf32>
    %sub3A_97 = vector.broadcast %div3A_88 : vector<1024x1xf32> to vector<1024x320xf32>
    %sub3A_98 = arith.subf %add3A_76, %sub3A_97 : vector<1024x320xf32>
    %add3A_99 = arith.constant 9.99999974E-6 : f32
    %add3A_100 = vector.broadcast %add3A_99 : f32 to vector<1024x1xf32>
    %add3A_101 = arith.addf %div3A_96, %add3A_100 : vector<1024x1xf32>
    %sqrt3A = math.sqrt %add3A_101 : vector<1024x1xf32>
    %div3A_102 = vector.broadcast %sqrt3A : vector<1024x1xf32> to vector<1024x320xf32>
    %div3A_103 = arith.divf %sub3A_98, %div3A_102 : vector<1024x320xf32>
    %mul3A_104 = vector.broadcast %get3A_79 : vector<1x320xf32> to vector<1024x320xf32>
    %mul3A_105 = arith.mulf %div3A_103, %mul3A_104 : vector<1024x320xf32>
    %add3A_106 = vector.broadcast %get3A_82 : vector<1x320xf32> to vector<1024x320xf32>
    %add3A_107 = arith.addf %mul3A_105, %add3A_106 : vector<1024x320xf32>
    %slice3A = vector.extract_strided_slice %add3A_107 {offsets = [0, 0], sizes = [1024, 32], strides = [1, 1]} : vector<1024x320xf32> to vector<1024x32xf32>
    %mul3A_108 = arith.constant 0.176776692 : f32
    %mul3A_109 = vector.broadcast %mul3A_108 : f32 to vector<1024x32xf32>
    %mul3A_110 = arith.mulf %slice3A, %mul3A_109 : vector<1024x32xf32>
    %slice3A_111 = vector.extract_strided_slice %add3A_107 {offsets = [0, 32], sizes = [1024, 32], strides = [1, 1]} : vector<1024x320xf32> to vector<1024x32xf32>
    %slice3A_112 = vector.extract_strided_slice %add3A_107 {offsets = [0, 64], sizes = [1024, 256], strides = [1, 1]} : vector<1024x320xf32> to vector<1024x256xf32>
    %slice3A_113 = vector.extract_strided_slice %mul3A_110 {offsets = [0, 0], sizes = [128, 32], strides = [1, 1]} : vector<1024x32xf32> to vector<128x32xf32>
    %slice3A_114 = vector.extract_strided_slice %slice3A_111 {offsets = [0, 0], sizes = [128, 32], strides = [1, 1]} : vector<1024x32xf32> to vector<128x32xf32>
    %dot_general3A_115 = arith.constant dense<0.000000e+00> : vector<128x128xf32>
    %dot_general3A_116 = tpu.matmul %slice3A_113, %slice3A_114, %dot_general3A_115 {dimension_numbers = #tpu.dot_dimension_numbers<[1], [1], [0], [0], [0, 0, 1, 0], [], []>, transpose_lhs_hint = false} : vector<128x32xf32>, vector<128x32xf32>, vector<128x128xf32> -> vector<128x128xf32>
    %reduce_max3A = arith.constant dense<0xFF800000> : vector<128xf32>
    %reduce_max3A_117 = vector.multi_reduction <maximumf>, %dot_general3A_116, %reduce_max3A [1] : vector<128x128xf32> to vector<128xf32>
    %max3A = arith.constant 0xFF800000 : f32
    %max3A_118 = vector.broadcast %max3A : f32 to vector<128xf32>
    %max3A_119 = arith.maximumf %max3A_118, %reduce_max3A_117 : vector<128xf32>
    %broadcast_in_dim3A_120 = vector.shape_cast %max3A_119 : vector<128xf32> to vector<128x1xf32>
    %sub3A_121 = vector.broadcast %broadcast_in_dim3A_120 : vector<128x1xf32> to vector<128x128xf32>
    %sub3A_122 = arith.subf %dot_general3A_116, %sub3A_121 : vector<128x128xf32>
    %exp3A = math.exp %sub3A_122 : vector<128x128xf32>
    %reduce_sum3A_123 = arith.constant dense<0.000000e+00> : vector<128xf32>
    %reduce_sum3A_124 = vector.multi_reduction <add>, %exp3A, %reduce_sum3A_123 [1] : vector<128x128xf32> to vector<128xf32>
    %broadcast_in_dim3A_125 = vector.shape_cast %reduce_sum3A_124 : vector<128xf32> to vector<128x1xf32>
    %div3A_126 = vector.broadcast %broadcast_in_dim3A_125 : vector<128x1xf32> to vector<128x128xf32>
    %div3A_127 = arith.divf %exp3A, %div3A_126 : vector<128x128xf32>
    %slice3A_128 = vector.extract_strided_slice %slice3A_112 {offsets = [0, 0], sizes = [128, 256], strides = [1, 1]} : vector<1024x256xf32> to vector<128x256xf32>
    %dot_general3A_129 = arith.constant dense<0.000000e+00> : vector<128x256xf32>
    %dot_general3A_130 = tpu.matmul %div3A_127, %slice3A_128, %dot_general3A_129 {dimension_numbers = #tpu.dot_dimension_numbers<[1], [0], [0], [1], [0, 0, 1, 1], [], []>, transpose_lhs_hint = false} : vector<128x128xf32>, vector<128x256xf32>, vector<128x256xf32> -> vector<128x256xf32>
    %slice3A_131 = vector.extract_strided_slice %mul3A_110 {offsets = [128, 0], sizes = [128, 32], strides = [1, 1]} : vector<1024x32xf32> to vector<128x32xf32>
    %slice3A_132 = vector.extract_strided_slice %slice3A_111 {offsets = [128, 0], sizes = [128, 32], strides = [1, 1]} : vector<1024x32xf32> to vector<128x32xf32>
    %dot_general3A_133 = arith.constant dense<0.000000e+00> : vector<128x128xf32>
    %dot_general3A_134 = tpu.matmul %slice3A_131, %slice3A_132, %dot_general3A_133 {dimension_numbers = #tpu.dot_dimension_numbers<[1], [1], [0], [0], [0, 0, 1, 0], [], []>, transpose_lhs_hint = false} : vector<128x32xf32>, vector<128x32xf32>, vector<128x128xf32> -> vector<128x128xf32>
    %reduce_max3A_135 = arith.constant dense<0xFF800000> : vector<128xf32>
    %reduce_max3A_136 = vector.multi_reduction <maximumf>, %dot_general3A_134, %reduce_max3A_135 [1] : vector<128x128xf32> to vector<128xf32>
    %max3A_137 = arith.constant 0xFF800000 : f32
    %max3A_138 = vector.broadcast %max3A_137 : f32 to vector<128xf32>
    %max3A_139 = arith.maximumf %max3A_138, %reduce_max3A_136 : vector<128xf32>
    %broadcast_in_dim3A_140 = vector.shape_cast %max3A_139 : vector<128xf32> to vector<128x1xf32>
    %sub3A_141 = vector.broadcast %broadcast_in_dim3A_140 : vector<128x1xf32> to vector<128x128xf32>
    %sub3A_142 = arith.subf %dot_general3A_134, %sub3A_141 : vector<128x128xf32>
    %exp3A_143 = math.exp %sub3A_142 : vector<128x128xf32>
    %reduce_sum3A_144 = arith.constant dense<0.000000e+00> : vector<128xf32>
    %reduce_sum3A_145 = vector.multi_reduction <add>, %exp3A_143, %reduce_sum3A_144 [1] : vector<128x128xf32> to vector<128xf32>
    %broadcast_in_dim3A_146 = vector.shape_cast %reduce_sum3A_145 : vector<128xf32> to vector<128x1xf32>
    %div3A_147 = vector.broadcast %broadcast_in_dim3A_146 : vector<128x1xf32> to vector<128x128xf32>
    %div3A_148 = arith.divf %exp3A_143, %div3A_147 : vector<128x128xf32>
    %slice3A_149 = vector.extract_strided_slice %slice3A_112 {offsets = [128, 0], sizes = [128, 256], strides = [1, 1]} : vector<1024x256xf32> to vector<128x256xf32>
    %dot_general3A_150 = arith.constant dense<0.000000e+00> : vector<128x256xf32>
    %dot_general3A_151 = tpu.matmul %div3A_148, %slice3A_149, %dot_general3A_150 {dimension_numbers = #tpu.dot_dimension_numbers<[1], [0], [0], [1], [0, 0, 1, 1], [], []>, transpose_lhs_hint = false} : vector<128x128xf32>, vector<128x256xf32>, vector<128x256xf32> -> vector<128x256xf32>
    %slice3A_152 = vector.extract_strided_slice %mul3A_110 {offsets = [256, 0], sizes = [128, 32], strides = [1, 1]} : vector<1024x32xf32> to vector<128x32xf32>
    %slice3A_153 = vector.extract_strided_slice %slice3A_111 {offsets = [256, 0], sizes = [128, 32], strides = [1, 1]} : vector<1024x32xf32> to vector<128x32xf32>
    %dot_general3A_154 = arith.constant dense<0.000000e+00> : vector<128x128xf32>
    %dot_general3A_155 = tpu.matmul %slice3A_152, %slice3A_153, %dot_general3A_154 {dimension_numbers = #tpu.dot_dimension_numbers<[1], [1], [0], [0], [0, 0, 1, 0], [], []>, transpose_lhs_hint = false} : vector<128x32xf32>, vector<128x32xf32>, vector<128x128xf32> -> vector<128x128xf32>
    %reduce_max3A_156 = arith.constant dense<0xFF800000> : vector<128xf32>
    %reduce_max3A_157 = vector.multi_reduction <maximumf>, %dot_general3A_155, %reduce_max3A_156 [1] : vector<128x128xf32> to vector<128xf32>
    %max3A_158 = arith.constant 0xFF800000 : f32
    %max3A_159 = vector.broadcast %max3A_158 : f32 to vector<128xf32>
    %max3A_160 = arith.maximumf %max3A_159, %reduce_max3A_157 : vector<128xf32>
    %broadcast_in_dim3A_161 = vector.shape_cast %max3A_160 : vector<128xf32> to vector<128x1xf32>
    %sub3A_162 = vector.broadcast %broadcast_in_dim3A_161 : vector<128x1xf32> to vector<128x128xf32>
    %sub3A_163 = arith.subf %dot_general3A_155, %sub3A_162 : vector<128x128xf32>
    %exp3A_164 = math.exp %sub3A_163 : vector<128x128xf32>
    %reduce_sum3A_165 = arith.constant dense<0.000000e+00> : vector<128xf32>
    %reduce_sum3A_166 = vector.multi_reduction <add>, %exp3A_164, %reduce_sum3A_165 [1] : vector<128x128xf32> to vector<128xf32>
    %broadcast_in_dim3A_167 = vector.shape_cast %reduce_sum3A_166 : vector<128xf32> to vector<128x1xf32>
    %div3A_168 = vector.broadcast %broadcast_in_dim3A_167 : vector<128x1xf32> to vector<128x128xf32>
    %div3A_169 = arith.divf %exp3A_164, %div3A_168 : vector<128x128xf32>
    %slice3A_170 = vector.extract_strided_slice %slice3A_112 {offsets = [256, 0], sizes = [128, 256], strides = [1, 1]} : vector<1024x256xf32> to vector<128x256xf32>
    %dot_general3A_171 = arith.constant dense<0.000000e+00> : vector<128x256xf32>
    %dot_general3A_172 = tpu.matmul %div3A_169, %slice3A_170, %dot_general3A_171 {dimension_numbers = #tpu.dot_dimension_numbers<[1], [0], [0], [1], [0, 0, 1, 1], [], []>, transpose_lhs_hint = false} : vector<128x128xf32>, vector<128x256xf32>, vector<128x256xf32> -> vector<128x256xf32>
    %slice3A_173 = vector.extract_strided_slice %mul3A_110 {offsets = [384, 0], sizes = [128, 32], strides = [1, 1]} : vector<1024x32xf32> to vector<128x32xf32>
    %slice3A_174 = vector.extract_strided_slice %slice3A_111 {offsets = [384, 0], sizes = [128, 32], strides = [1, 1]} : vector<1024x32xf32> to vector<128x32xf32>
    %dot_general3A_175 = arith.constant dense<0.000000e+00> : vector<128x128xf32>
    %dot_general3A_176 = tpu.matmul %slice3A_173, %slice3A_174, %dot_general3A_175 {dimension_numbers = #tpu.dot_dimension_numbers<[1], [1], [0], [0], [0, 0, 1, 0], [], []>, transpose_lhs_hint = false} : vector<128x32xf32>, vector<128x32xf32>, vector<128x128xf32> -> vector<128x128xf32>
    %reduce_max3A_177 = arith.constant dense<0xFF800000> : vector<128xf32>
    %reduce_max3A_178 = vector.multi_reduction <maximumf>, %dot_general3A_176, %reduce_max3A_177 [1] : vector<128x128xf32> to vector<128xf32>
    %max3A_179 = arith.constant 0xFF800000 : f32
    %max3A_180 = vector.broadcast %max3A_179 : f32 to vector<128xf32>
    %max3A_181 = arith.maximumf %max3A_180, %reduce_max3A_178 : vector<128xf32>
    %broadcast_in_dim3A_182 = vector.shape_cast %max3A_181 : vector<128xf32> to vector<128x1xf32>
    %sub3A_183 = vector.broadcast %broadcast_in_dim3A_182 : vector<128x1xf32> to vector<128x128xf32>
    %sub3A_184 = arith.subf %dot_general3A_176, %sub3A_183 : vector<128x128xf32>
    %exp3A_185 = math.exp %sub3A_184 : vector<128x128xf32>
    %reduce_sum3A_186 = arith.constant dense<0.000000e+00> : vector<128xf32>
    %reduce_sum3A_187 = vector.multi_reduction <add>, %exp3A_185, %reduce_sum3A_186 [1] : vector<128x128xf32> to vector<128xf32>
    %broadcast_in_dim3A_188 = vector.shape_cast %reduce_sum3A_187 : vector<128xf32> to vector<128x1xf32>
    %div3A_189 = vector.broadcast %broadcast_in_dim3A_188 : vector<128x1xf32> to vector<128x128xf32>
    %div3A_190 = arith.divf %exp3A_185, %div3A_189 : vector<128x128xf32>
    %slice3A_191 = vector.extract_strided_slice %slice3A_112 {offsets = [384, 0], sizes = [128, 256], strides = [1, 1]} : vector<1024x256xf32> to vector<128x256xf32>
    %dot_general3A_192 = arith.constant dense<0.000000e+00> : vector<128x256xf32>
    %dot_general3A_193 = tpu.matmul %div3A_190, %slice3A_191, %dot_general3A_192 {dimension_numbers = #tpu.dot_dimension_numbers<[1], [0], [0], [1], [0, 0, 1, 1], [], []>, transpose_lhs_hint = false} : vector<128x128xf32>, vector<128x256xf32>, vector<128x256xf32> -> vector<128x256xf32>
    %slice3A_194 = vector.extract_strided_slice %mul3A_110 {offsets = [512, 0], sizes = [128, 32], strides = [1, 1]} : vector<1024x32xf32> to vector<128x32xf32>
    %slice3A_195 = vector.extract_strided_slice %slice3A_111 {offsets = [512, 0], sizes = [128, 32], strides = [1, 1]} : vector<1024x32xf32> to vector<128x32xf32>
    %dot_general3A_196 = arith.constant dense<0.000000e+00> : vector<128x128xf32>
    %dot_general3A_197 = tpu.matmul %slice3A_194, %slice3A_195, %dot_general3A_196 {dimension_numbers = #tpu.dot_dimension_numbers<[1], [1], [0], [0], [0, 0, 1, 0], [], []>, transpose_lhs_hint = false} : vector<128x32xf32>, vector<128x32xf32>, vector<128x128xf32> -> vector<128x128xf32>
    %reduce_max3A_198 = arith.constant dense<0xFF800000> : vector<128xf32>
    %reduce_max3A_199 = vector.multi_reduction <maximumf>, %dot_general3A_197, %reduce_max3A_198 [1] : vector<128x128xf32> to vector<128xf32>
    %max3A_200 = arith.constant 0xFF800000 : f32
    %max3A_201 = vector.broadcast %max3A_200 : f32 to vector<128xf32>
    %max3A_202 = arith.maximumf %max3A_201, %reduce_max3A_199 : vector<128xf32>
    %broadcast_in_dim3A_203 = vector.shape_cast %max3A_202 : vector<128xf32> to vector<128x1xf32>
    %sub3A_204 = vector.broadcast %broadcast_in_dim3A_203 : vector<128x1xf32> to vector<128x128xf32>
    %sub3A_205 = arith.subf %dot_general3A_197, %sub3A_204 : vector<128x128xf32>
    %exp3A_206 = math.exp %sub3A_205 : vector<128x128xf32>
    %reduce_sum3A_207 = arith.constant dense<0.000000e+00> : vector<128xf32>
    %reduce_sum3A_208 = vector.multi_reduction <add>, %exp3A_206, %reduce_sum3A_207 [1] : vector<128x128xf32> to vector<128xf32>
    %broadcast_in_dim3A_209 = vector.shape_cast %reduce_sum3A_208 : vector<128xf32> to vector<128x1xf32>
    %div3A_210 = vector.broadcast %broadcast_in_dim3A_209 : vector<128x1xf32> to vector<128x128xf32>
    %div3A_211 = arith.divf %exp3A_206, %div3A_210 : vector<128x128xf32>
    %slice3A_212 = vector.extract_strided_slice %slice3A_112 {offsets = [512, 0], sizes = [128, 256], strides = [1, 1]} : vector<1024x256xf32> to vector<128x256xf32>
    %dot_general3A_213 = arith.constant dense<0.000000e+00> : vector<128x256xf32>
    %dot_general3A_214 = tpu.matmul %div3A_211, %slice3A_212, %dot_general3A_213 {dimension_numbers = #tpu.dot_dimension_numbers<[1], [0], [0], [1], [0, 0, 1, 1], [], []>, transpose_lhs_hint = false} : vector<128x128xf32>, vector<128x256xf32>, vector<128x256xf32> -> vector<128x256xf32>
    %slice3A_215 = vector.extract_strided_slice %mul3A_110 {offsets = [640, 0], sizes = [128, 32], strides = [1, 1]} : vector<1024x32xf32> to vector<128x32xf32>
    %slice3A_216 = vector.extract_strided_slice %slice3A_111 {offsets = [640, 0], sizes = [128, 32], strides = [1, 1]} : vector<1024x32xf32> to vector<128x32xf32>
    %dot_general3A_217 = arith.constant dense<0.000000e+00> : vector<128x128xf32>
    %dot_general3A_218 = tpu.matmul %slice3A_215, %slice3A_216, %dot_general3A_217 {dimension_numbers = #tpu.dot_dimension_numbers<[1], [1], [0], [0], [0, 0, 1, 0], [], []>, transpose_lhs_hint = false} : vector<128x32xf32>, vector<128x32xf32>, vector<128x128xf32> -> vector<128x128xf32>
    %reduce_max3A_219 = arith.constant dense<0xFF800000> : vector<128xf32>
    %reduce_max3A_220 = vector.multi_reduction <maximumf>, %dot_general3A_218, %reduce_max3A_219 [1] : vector<128x128xf32> to vector<128xf32>
    %max3A_221 = arith.constant 0xFF800000 : f32
    %max3A_222 = vector.broadcast %max3A_221 : f32 to vector<128xf32>
    %max3A_223 = arith.maximumf %max3A_222, %reduce_max3A_220 : vector<128xf32>
    %broadcast_in_dim3A_224 = vector.shape_cast %max3A_223 : vector<128xf32> to vector<128x1xf32>
    %sub3A_225 = vector.broadcast %broadcast_in_dim3A_224 : vector<128x1xf32> to vector<128x128xf32>
    %sub3A_226 = arith.subf %dot_general3A_218, %sub3A_225 : vector<128x128xf32>
    %exp3A_227 = math.exp %sub3A_226 : vector<128x128xf32>
    %reduce_sum3A_228 = arith.constant dense<0.000000e+00> : vector<128xf32>
    %reduce_sum3A_229 = vector.multi_reduction <add>, %exp3A_227, %reduce_sum3A_228 [1] : vector<128x128xf32> to vector<128xf32>
    %broadcast_in_dim3A_230 = vector.shape_cast %reduce_sum3A_229 : vector<128xf32> to vector<128x1xf32>
    %div3A_231 = vector.broadcast %broadcast_in_dim3A_230 : vector<128x1xf32> to vector<128x128xf32>
    %div3A_232 = arith.divf %exp3A_227, %div3A_231 : vector<128x128xf32>
    %slice3A_233 = vector.extract_strided_slice %slice3A_112 {offsets = [640, 0], sizes = [128, 256], strides = [1, 1]} : vector<1024x256xf32> to vector<128x256xf32>
    %dot_general3A_234 = arith.constant dense<0.000000e+00> : vector<128x256xf32>
    %dot_general3A_235 = tpu.matmul %div3A_232, %slice3A_233, %dot_general3A_234 {dimension_numbers = #tpu.dot_dimension_numbers<[1], [0], [0], [1], [0, 0, 1, 1], [], []>, transpose_lhs_hint = false} : vector<128x128xf32>, vector<128x256xf32>, vector<128x256xf32> -> vector<128x256xf32>
    %slice3A_236 = vector.extract_strided_slice %mul3A_110 {offsets = [768, 0], sizes = [128, 32], strides = [1, 1]} : vector<1024x32xf32> to vector<128x32xf32>
    %slice3A_237 = vector.extract_strided_slice %slice3A_111 {offsets = [768, 0], sizes = [128, 32], strides = [1, 1]} : vector<1024x32xf32> to vector<128x32xf32>
    %dot_general3A_238 = arith.constant dense<0.000000e+00> : vector<128x128xf32>
    %dot_general3A_239 = tpu.matmul %slice3A_236, %slice3A_237, %dot_general3A_238 {dimension_numbers = #tpu.dot_dimension_numbers<[1], [1], [0], [0], [0, 0, 1, 0], [], []>, transpose_lhs_hint = false} : vector<128x32xf32>, vector<128x32xf32>, vector<128x128xf32> -> vector<128x128xf32>
    %reduce_max3A_240 = arith.constant dense<0xFF800000> : vector<128xf32>
    %reduce_max3A_241 = vector.multi_reduction <maximumf>, %dot_general3A_239, %reduce_max3A_240 [1] : vector<128x128xf32> to vector<128xf32>
    %max3A_242 = arith.constant 0xFF800000 : f32
    %max3A_243 = vector.broadcast %max3A_242 : f32 to vector<128xf32>
    %max3A_244 = arith.maximumf %max3A_243, %reduce_max3A_241 : vector<128xf32>
    %broadcast_in_dim3A_245 = vector.shape_cast %max3A_244 : vector<128xf32> to vector<128x1xf32>
    %sub3A_246 = vector.broadcast %broadcast_in_dim3A_245 : vector<128x1xf32> to vector<128x128xf32>
    %sub3A_247 = arith.subf %dot_general3A_239, %sub3A_246 : vector<128x128xf32>
    %exp3A_248 = math.exp %sub3A_247 : vector<128x128xf32>
    %reduce_sum3A_249 = arith.constant dense<0.000000e+00> : vector<128xf32>
    %reduce_sum3A_250 = vector.multi_reduction <add>, %exp3A_248, %reduce_sum3A_249 [1] : vector<128x128xf32> to vector<128xf32>
    %broadcast_in_dim3A_251 = vector.shape_cast %reduce_sum3A_250 : vector<128xf32> to vector<128x1xf32>
    %div3A_252 = vector.broadcast %broadcast_in_dim3A_251 : vector<128x1xf32> to vector<128x128xf32>
    %div3A_253 = arith.divf %exp3A_248, %div3A_252 : vector<128x128xf32>
    %slice3A_254 = vector.extract_strided_slice %slice3A_112 {offsets = [768, 0], sizes = [128, 256], strides = [1, 1]} : vector<1024x256xf32> to vector<128x256xf32>
    %dot_general3A_255 = arith.constant dense<0.000000e+00> : vector<128x256xf32>
    %dot_general3A_256 = tpu.matmul %div3A_253, %slice3A_254, %dot_general3A_255 {dimension_numbers = #tpu.dot_dimension_numbers<[1], [0], [0], [1], [0, 0, 1, 1], [], []>, transpose_lhs_hint = false} : vector<128x128xf32>, vector<128x256xf32>, vector<128x256xf32> -> vector<128x256xf32>
    %slice3A_257 = vector.extract_strided_slice %mul3A_110 {offsets = [896, 0], sizes = [128, 32], strides = [1, 1]} : vector<1024x32xf32> to vector<128x32xf32>
    %slice3A_258 = vector.extract_strided_slice %slice3A_111 {offsets = [896, 0], sizes = [128, 32], strides = [1, 1]} : vector<1024x32xf32> to vector<128x32xf32>
    %dot_general3A_259 = arith.constant dense<0.000000e+00> : vector<128x128xf32>
    %dot_general3A_260 = tpu.matmul %slice3A_257, %slice3A_258, %dot_general3A_259 {dimension_numbers = #tpu.dot_dimension_numbers<[1], [1], [0], [0], [0, 0, 1, 0], [], []>, transpose_lhs_hint = false} : vector<128x32xf32>, vector<128x32xf32>, vector<128x128xf32> -> vector<128x128xf32>
    %reduce_max3A_261 = arith.constant dense<0xFF800000> : vector<128xf32>
    %reduce_max3A_262 = vector.multi_reduction <maximumf>, %dot_general3A_260, %reduce_max3A_261 [1] : vector<128x128xf32> to vector<128xf32>
    %max3A_263 = arith.constant 0xFF800000 : f32
    %max3A_264 = vector.broadcast %max3A_263 : f32 to vector<128xf32>
    %max3A_265 = arith.maximumf %max3A_264, %reduce_max3A_262 : vector<128xf32>
    %broadcast_in_dim3A_266 = vector.shape_cast %max3A_265 : vector<128xf32> to vector<128x1xf32>
    %sub3A_267 = vector.broadcast %broadcast_in_dim3A_266 : vector<128x1xf32> to vector<128x128xf32>
    %sub3A_268 = arith.subf %dot_general3A_260, %sub3A_267 : vector<128x128xf32>
    %exp3A_269 = math.exp %sub3A_268 : vector<128x128xf32>
    %reduce_sum3A_270 = arith.constant dense<0.000000e+00> : vector<128xf32>
    %reduce_sum3A_271 = vector.multi_reduction <add>, %exp3A_269, %reduce_sum3A_270 [1] : vector<128x128xf32> to vector<128xf32>
    %broadcast_in_dim3A_272 = vector.shape_cast %reduce_sum3A_271 : vector<128xf32> to vector<128x1xf32>
    %div3A_273 = vector.broadcast %broadcast_in_dim3A_272 : vector<128x1xf32> to vector<128x128xf32>
    %div3A_274 = arith.divf %exp3A_269, %div3A_273 : vector<128x128xf32>
    %slice3A_275 = vector.extract_strided_slice %slice3A_112 {offsets = [896, 0], sizes = [128, 256], strides = [1, 1]} : vector<1024x256xf32> to vector<128x256xf32>
    %dot_general3A_276 = arith.constant dense<0.000000e+00> : vector<128x256xf32>
    %dot_general3A_277 = tpu.matmul %div3A_274, %slice3A_275, %dot_general3A_276 {dimension_numbers = #tpu.dot_dimension_numbers<[1], [0], [0], [1], [0, 0, 1, 1], [], []>, transpose_lhs_hint = false} : vector<128x128xf32>, vector<128x256xf32>, vector<128x256xf32> -> vector<128x256xf32>
    %concatenate3A = tpu.concatenate %dot_general3A_130, %dot_general3A_151, %dot_general3A_172, %dot_general3A_193, %dot_general3A_214, %dot_general3A_235, %dot_general3A_256, %dot_general3A_277 in 0 : vector<128x256xf32>, vector<128x256xf32>, vector<128x256xf32>, vector<128x256xf32>, vector<128x256xf32>, vector<128x256xf32>, vector<128x256xf32>, vector<128x256xf32> -> vector<1024x256xf32>
    %add3A_278 = arith.addf %add3A_66, %concatenate3A : vector<1024x256xf32>
    %get3A_279 = arith.constant 0 : index
    %get3A_280 = arith.constant 0 : index
    %get3A_281 = vector.load %arg7[%get3A_279, %get3A_280] : memref<1x256xf32, #tpu.memory_space<vmem>>, vector<1x256xf32>
    %get3A_282 = arith.constant 0 : index
    %get3A_283 = arith.constant 0 : index
    %get3A_284 = vector.load %arg8[%get3A_282, %get3A_283] : memref<1x256xf32, #tpu.memory_space<vmem>>, vector<1x256xf32>
    %reduce_sum3A_285 = arith.constant dense<0.000000e+00> : vector<1024xf32>
    %reduce_sum3A_286 = vector.multi_reduction <add>, %add3A_278, %reduce_sum3A_285 [1] : vector<1024x256xf32> to vector<1024xf32>
    %broadcast_in_dim3A_287 = vector.shape_cast %reduce_sum3A_286 : vector<1024xf32> to vector<1024x1xf32>
    %div3A_288 = arith.constant 2.560000e+02 : f32
    %div3A_289 = vector.broadcast %div3A_288 : f32 to vector<1024x1xf32>
    %div3A_290 = arith.divf %broadcast_in_dim3A_287, %div3A_289 : vector<1024x1xf32>
    %sub3A_291 = vector.broadcast %div3A_290 : vector<1024x1xf32> to vector<1024x256xf32>
    %sub3A_292 = arith.subf %add3A_278, %sub3A_291 : vector<1024x256xf32>
    %integer_pow3A_293 = arith.mulf %sub3A_292, %sub3A_292 : vector<1024x256xf32>
    %reduce_sum3A_294 = arith.constant dense<0.000000e+00> : vector<1024xf32>
    %reduce_sum3A_295 = vector.multi_reduction <add>, %integer_pow3A_293, %reduce_sum3A_294 [1] : vector<1024x256xf32> to vector<1024xf32>
    %broadcast_in_dim3A_296 = vector.shape_cast %reduce_sum3A_295 : vector<1024xf32> to vector<1024x1xf32>
    %div3A_297 = arith.constant 2.560000e+02 : f32
    %div3A_298 = vector.broadcast %div3A_297 : f32 to vector<1024x1xf32>
    %div3A_299 = arith.divf %broadcast_in_dim3A_296, %div3A_298 : vector<1024x1xf32>
    %sub3A_300 = vector.broadcast %div3A_290 : vector<1024x1xf32> to vector<1024x256xf32>
    %sub3A_301 = arith.subf %add3A_278, %sub3A_300 : vector<1024x256xf32>
    %add3A_302 = arith.constant 9.99999974E-6 : f32
    %add3A_303 = vector.broadcast %add3A_302 : f32 to vector<1024x1xf32>
    %add3A_304 = arith.addf %div3A_299, %add3A_303 : vector<1024x1xf32>
    %sqrt3A_305 = math.sqrt %add3A_304 : vector<1024x1xf32>
    %div3A_306 = vector.broadcast %sqrt3A_305 : vector<1024x1xf32> to vector<1024x256xf32>
    %div3A_307 = arith.divf %sub3A_301, %div3A_306 : vector<1024x256xf32>
    %mul3A_308 = vector.broadcast %get3A_281 : vector<1x256xf32> to vector<1024x256xf32>
    %mul3A_309 = arith.mulf %div3A_307, %mul3A_308 : vector<1024x256xf32>
    %add3A_310 = vector.broadcast %get3A_284 : vector<1x256xf32> to vector<1024x256xf32>
    %add3A_311 = arith.addf %mul3A_309, %add3A_310 : vector<1024x256xf32>
    %get3A_312 = arith.constant 0 : index
    %get3A_313 = arith.constant 0 : index
    %get3A_314 = vector.load %arg9[%get3A_312, %get3A_313] : memref<256x256xf32, #tpu.memory_space<vmem>>, vector<256x256xf32>
    %dot_general3A_315 = arith.constant dense<0.000000e+00> : vector<1024x256xf32>
    %dot_general3A_316 = tpu.matmul %add3A_311, %get3A_314, %dot_general3A_315 {dimension_numbers = #tpu.dot_dimension_numbers<[1], [0], [0], [1], [0, 0, 1, 1], [], []>, transpose_lhs_hint = false} : vector<1024x256xf32>, vector<256x256xf32>, vector<1024x256xf32> -> vector<1024x256xf32>
    %get3A_317 = arith.constant 0 : index
    %get3A_318 = arith.constant 0 : index
    %get3A_319 = vector.load %arg10[%get3A_317, %get3A_318] : memref<1x256xf32, #tpu.memory_space<vmem>>, vector<1x256xf32>
    %add3A_320 = vector.broadcast %get3A_319 : vector<1x256xf32> to vector<1024x256xf32>
    %add3A_321 = arith.addf %dot_general3A_316, %add3A_320 : vector<1024x256xf32>
    %max3A_322 = arith.constant 0.000000e+00 : f32
    %max3A_323 = vector.broadcast %max3A_322 : f32 to vector<1024x256xf32>
    %max3A_324 = arith.maximumf %add3A_321, %max3A_323 : vector<1024x256xf32>
    %get3A_325 = arith.constant 0 : index
    %get3A_326 = arith.constant 0 : index
    %get3A_327 = vector.load %arg11[%get3A_325, %get3A_326] : memref<256x256xf32, #tpu.memory_space<vmem>>, vector<256x256xf32>
    %dot_general3A_328 = arith.constant dense<0.000000e+00> : vector<1024x256xf32>
    %dot_general3A_329 = tpu.matmul %max3A_324, %get3A_327, %dot_general3A_328 {dimension_numbers = #tpu.dot_dimension_numbers<[1], [0], [0], [1], [0, 0, 1, 1], [], []>, transpose_lhs_hint = false} : vector<1024x256xf32>, vector<256x256xf32>, vector<1024x256xf32> -> vector<1024x256xf32>
    %get3A_330 = arith.constant 0 : index
    %get3A_331 = arith.constant 0 : index
    %get3A_332 = vector.load %arg12[%get3A_330, %get3A_331] : memref<1x256xf32, #tpu.memory_space<vmem>>, vector<1x256xf32>
    %add3A_333 = vector.broadcast %get3A_332 : vector<1x256xf32> to vector<1024x256xf32>
    %add3A_334 = arith.addf %dot_general3A_329, %add3A_333 : vector<1024x256xf32>
    %add3A_335 = arith.addf %add3A_334, %add3A_311 : vector<1024x256xf32>
    %get3A_336 = arith.constant 0 : index
    %get3A_337 = arith.constant 0 : index
    %get3A_338 = vector.load %arg7[%get3A_336, %get3A_337] : memref<1x256xf32, #tpu.memory_space<vmem>>, vector<1x256xf32>
    %get3A_339 = arith.constant 0 : index
    %get3A_340 = arith.constant 0 : index
    %get3A_341 = vector.load %arg8[%get3A_339, %get3A_340] : memref<1x256xf32, #tpu.memory_space<vmem>>, vector<1x256xf32>
    %reduce_sum3A_342 = arith.constant dense<0.000000e+00> : vector<1024xf32>
    %reduce_sum3A_343 = vector.multi_reduction <add>, %add3A_335, %reduce_sum3A_342 [1] : vector<1024x256xf32> to vector<1024xf32>
    %broadcast_in_dim3A_344 = vector.shape_cast %reduce_sum3A_343 : vector<1024xf32> to vector<1024x1xf32>
    %div3A_345 = arith.constant 2.560000e+02 : f32
    %div3A_346 = vector.broadcast %div3A_345 : f32 to vector<1024x1xf32>
    %div3A_347 = arith.divf %broadcast_in_dim3A_344, %div3A_346 : vector<1024x1xf32>
    %sub3A_348 = vector.broadcast %div3A_347 : vector<1024x1xf32> to vector<1024x256xf32>
    %sub3A_349 = arith.subf %add3A_335, %sub3A_348 : vector<1024x256xf32>
    %integer_pow3A_350 = arith.mulf %sub3A_349, %sub3A_349 : vector<1024x256xf32>
    %reduce_sum3A_351 = arith.constant dense<0.000000e+00> : vector<1024xf32>
    %reduce_sum3A_352 = vector.multi_reduction <add>, %integer_pow3A_350, %reduce_sum3A_351 [1] : vector<1024x256xf32> to vector<1024xf32>
    %broadcast_in_dim3A_353 = vector.shape_cast %reduce_sum3A_352 : vector<1024xf32> to vector<1024x1xf32>
    %div3A_354 = arith.constant 2.560000e+02 : f32
    %div3A_355 = vector.broadcast %div3A_354 : f32 to vector<1024x1xf32>
    %div3A_356 = arith.divf %broadcast_in_dim3A_353, %div3A_355 : vector<1024x1xf32>
    %sub3A_357 = vector.broadcast %div3A_347 : vector<1024x1xf32> to vector<1024x256xf32>
    %sub3A_358 = arith.subf %add3A_335, %sub3A_357 : vector<1024x256xf32>
    %add3A_359 = arith.constant 9.99999974E-6 : f32
    %add3A_360 = vector.broadcast %add3A_359 : f32 to vector<1024x1xf32>
    %add3A_361 = arith.addf %div3A_356, %add3A_360 : vector<1024x1xf32>
    %sqrt3A_362 = math.sqrt %add3A_361 : vector<1024x1xf32>
    %div3A_363 = vector.broadcast %sqrt3A_362 : vector<1024x1xf32> to vector<1024x256xf32>
    %div3A_364 = arith.divf %sub3A_358, %div3A_363 : vector<1024x256xf32>
    %mul3A_365 = vector.broadcast %get3A_338 : vector<1x256xf32> to vector<1024x256xf32>
    %mul3A_366 = arith.mulf %div3A_364, %mul3A_365 : vector<1024x256xf32>
    %add3A_367 = vector.broadcast %get3A_341 : vector<1x256xf32> to vector<1024x256xf32>
    %add3A_368 = arith.addf %mul3A_366, %add3A_367 : vector<1024x256xf32>
    %iota3A_369 = tpu.iota {dimensions = array<i32: 0>} : vector<8x1024xi32>
    %iota3A_370 = tpu.iota {dimensions = array<i32: 1>} : vector<8x1024xi32>
    %jit3A_371 = arith.constant 128 : i32
    %div3A_372 = vector.broadcast %jit3A_371 : i32 to vector<8x1024xi32>
    %div3A_373 = arith.divsi %iota3A_370, %div3A_372 : vector<8x1024xi32>
    %sign3A_374 = arith.constant 0 : i32
    %sign3A_375 = vector.broadcast %sign3A_374 : i32 to vector<8x1024xi32>
    %sign3A_376 = arith.cmpi sgt, %iota3A_370, %sign3A_375 : vector<8x1024xi32>
    %sign3A_377 = arith.extui %sign3A_376 : vector<8x1024xi1> to vector<8x1024xi32>
    %sign3A_378 = arith.constant 0 : i32
    %sign3A_379 = vector.broadcast %sign3A_378 : i32 to vector<8x1024xi32>
    %sign3A_380 = arith.cmpi slt, %iota3A_370, %sign3A_379 : vector<8x1024xi32>
    %sign3A_381 = arith.extui %sign3A_380 : vector<8x1024xi1> to vector<8x1024xi32>
    %sign3A_382 = arith.subi %sign3A_377, %sign3A_381 : vector<8x1024xi32>
    %sign3A_383 = arith.constant 0 : i32
    %sign3A_384 = arith.cmpi sgt, %jit3A_371, %sign3A_383 : i32
    %sign3A_385 = arith.extui %sign3A_384 : i1 to i32
    %sign3A_386 = arith.constant 0 : i32
    %sign3A_387 = arith.cmpi slt, %jit3A_371, %sign3A_386 : i32
    %sign3A_388 = arith.extui %sign3A_387 : i1 to i32
    %sign3A_389 = arith.subi %sign3A_385, %sign3A_388 : i32
    %ne3A_390 = vector.broadcast %sign3A_389 : i32 to vector<8x1024xi32>
    %ne3A_391 = arith.cmpi ne, %sign3A_382, %ne3A_390 : vector<8x1024xi32>
    %rem3A_392 = vector.broadcast %jit3A_371 : i32 to vector<8x1024xi32>
    %rem3A_393 = arith.remsi %iota3A_370, %rem3A_392 : vector<8x1024xi32>
    %ne3A_394 = arith.constant 0 : i32
    %ne3A_395 = vector.broadcast %ne3A_394 : i32 to vector<8x1024xi32>
    %ne3A_396 = arith.cmpi ne, %rem3A_393, %ne3A_395 : vector<8x1024xi32>
    %and3A_397 = arith.andi %ne3A_391, %ne3A_396 : vector<8x1024xi1>
    %sub3A_398 = arith.constant 1 : i32
    %sub3A_399 = vector.broadcast %sub3A_398 : i32 to vector<8x1024xi32>
    %sub3A_400 = arith.subi %div3A_373, %sub3A_399 : vector<8x1024xi32>
    %select_n3A_401 = arith.select %and3A_397, %sub3A_400, %div3A_373 : vector<8x1024xi1>, vector<8x1024xi32>
    %eq3A_402 = arith.cmpi eq, %select_n3A_401, %iota3A_369 : vector<8x1024xi32>
    %convert_element_type3A_403 = arith.extui %eq3A_402 : vector<8x1024xi1> to vector<8x1024xi32>
    %convert_element_type3A_404 = arith.sitofp %convert_element_type3A_403 : vector<8x1024xi32> to vector<8x1024xf32>
    %mul3A_405 = arith.constant 7.812500e-03 : f32
    %mul3A_406 = vector.broadcast %mul3A_405 : f32 to vector<8x1024xf32>
    %mul3A_407 = arith.mulf %convert_element_type3A_404, %mul3A_406 : vector<8x1024xf32>
    %dot_general3A_408 = arith.constant dense<0.000000e+00> : vector<8x256xf32>
    %dot_general3A_409 = tpu.matmul %mul3A_407, %add3A_368, %dot_general3A_408 {dimension_numbers = #tpu.dot_dimension_numbers<[1], [0], [0], [1], [0, 0, 1, 1], [], []>, transpose_lhs_hint = false} : vector<8x1024xf32>, vector<1024x256xf32>, vector<8x256xf32> -> vector<8x256xf32>
    %get3A_410 = arith.constant 0 : index
    %get3A_411 = arith.constant 0 : index
    %get3A_412 = vector.load %arg13[%get3A_410, %get3A_411] : memref<256x256xf32, #tpu.memory_space<vmem>>, vector<256x256xf32>
    %dot_general3A_413 = arith.constant dense<0.000000e+00> : vector<8x256xf32>
    %dot_general3A_414 = tpu.matmul %dot_general3A_409, %get3A_412, %dot_general3A_413 {dimension_numbers = #tpu.dot_dimension_numbers<[1], [0], [0], [1], [0, 0, 1, 1], [], []>, transpose_lhs_hint = false} : vector<8x256xf32>, vector<256x256xf32>, vector<8x256xf32> -> vector<8x256xf32>
    %get3A_415 = arith.constant 0 : index
    %get3A_416 = arith.constant 0 : index
    %get3A_417 = vector.load %arg14[%get3A_415, %get3A_416] : memref<1x256xf32, #tpu.memory_space<vmem>>, vector<1x256xf32>
    %add3A_418 = vector.broadcast %get3A_417 : vector<1x256xf32> to vector<8x256xf32>
    %add3A_419 = arith.addf %dot_general3A_414, %add3A_418 : vector<8x256xf32>
    %max3A_420 = arith.constant 0.000000e+00 : f32
    %max3A_421 = vector.broadcast %max3A_420 : f32 to vector<8x256xf32>
    %max3A_422 = arith.maximumf %add3A_419, %max3A_421 : vector<8x256xf32>
    %get3A_423 = arith.constant 0 : index
    %get3A_424 = arith.constant 0 : index
    %get3A_425 = vector.load %arg15[%get3A_423, %get3A_424] : memref<256x256xf32, #tpu.memory_space<vmem>>, vector<256x256xf32>
    %dot_general3A_426 = arith.constant dense<0.000000e+00> : vector<8x256xf32>
    %dot_general3A_427 = tpu.matmul %max3A_422, %get3A_425, %dot_general3A_426 {dimension_numbers = #tpu.dot_dimension_numbers<[1], [0], [0], [1], [0, 0, 1, 1], [], []>, transpose_lhs_hint = false} : vector<8x256xf32>, vector<256x256xf32>, vector<8x256xf32> -> vector<8x256xf32>
    %get3A_428 = arith.constant 0 : index
    %get3A_429 = arith.constant 0 : index
    %get3A_430 = vector.load %arg16[%get3A_428, %get3A_429] : memref<1x256xf32, #tpu.memory_space<vmem>>, vector<1x256xf32>
    %add3A_431 = vector.broadcast %get3A_430 : vector<1x256xf32> to vector<8x256xf32>
    %add3A_432 = arith.addf %dot_general3A_427, %add3A_431 : vector<8x256xf32>
    %swap3A = arith.constant 0 : index
    %swap3A_433 = arith.constant 0 : index
    %swap3A_434 = vector.load %arg17[%swap3A, %swap3A_433] : memref<8x256xf32, #tpu.memory_space<vmem>>, vector<8x256xf32>
    tpu.vector_store %arg17[%swap3A, %swap3A_433], %add3A_432 {strides = array<i32>} : memref<8x256xf32, #tpu.memory_space<vmem>>, vector<8x256xf32>,
    return
  }
  func.func @transform_0(%arg0: i32) -> (i32, i32) {
    %c0_i32 = arith.constant 0 : i32
    %c0_i32_0 = arith.constant 0 : i32
    return %arg0, %c0_i32 : i32, i32
  }
  func.func @transform_1(%arg0: i32) -> (i32, i32) {
    %c0_i32 = arith.constant 0 : i32
    %c0_i32_0 = arith.constant 0 : i32
    return %arg0, %c0_i32 : i32, i32
  }
  func.func @transform_2(%arg0: i32) -> (i32, i32) {
    %c0_i32 = arith.constant 0 : i32
    %c0_i32_0 = arith.constant 0 : i32
    %c0_i32_1 = arith.constant 0 : i32
    return %c0_i32, %c0_i32_0 : i32, i32
  }
  func.func @transform_3(%arg0: i32) -> (i32, i32) {
    %c0_i32 = arith.constant 0 : i32
    %c0_i32_0 = arith.constant 0 : i32
    %c0_i32_1 = arith.constant 0 : i32
    return %c0_i32, %c0_i32_0 : i32, i32
  }
  func.func @transform_4(%arg0: i32) -> (i32, i32) {
    %c0_i32 = arith.constant 0 : i32
    %c0_i32_0 = arith.constant 0 : i32
    %c0_i32_1 = arith.constant 0 : i32
    return %c0_i32, %c0_i32_0 : i32, i32
  }
  func.func @transform_5(%arg0: i32) -> (i32, i32) {
    %c0_i32 = arith.constant 0 : i32
    %c0_i32_0 = arith.constant 0 : i32
    %c0_i32_1 = arith.constant 0 : i32
    return %c0_i32, %c0_i32_0 : i32, i32
  }
  func.func @transform_6(%arg0: i32) -> (i32, i32) {
    %c0_i32 = arith.constant 0 : i32
    %c0_i32_0 = arith.constant 0 : i32
    %c0_i32_1 = arith.constant 0 : i32
    return %c0_i32, %c0_i32_0 : i32, i32
  }
  func.func @transform_7(%arg0: i32) -> (i32, i32) {
    %c0_i32 = arith.constant 0 : i32
    %c0_i32_0 = arith.constant 0 : i32
    %c0_i32_1 = arith.constant 0 : i32
    return %c0_i32, %c0_i32_0 : i32, i32
  }
  func.func @transform_8(%arg0: i32) -> (i32, i32) {
    %c0_i32 = arith.constant 0 : i32
    %c0_i32_0 = arith.constant 0 : i32
    %c0_i32_1 = arith.constant 0 : i32
    return %c0_i32, %c0_i32_0 : i32, i32
  }
  func.func @transform_9(%arg0: i32) -> (i32, i32) {
    %c0_i32 = arith.constant 0 : i32
    %c0_i32_0 = arith.constant 0 : i32
    %c0_i32_1 = arith.constant 0 : i32
    return %c0_i32, %c0_i32_0 : i32, i32
  }
  func.func @transform_10(%arg0: i32) -> (i32, i32) {
    %c0_i32 = arith.constant 0 : i32
    %c0_i32_0 = arith.constant 0 : i32
    %c0_i32_1 = arith.constant 0 : i32
    return %c0_i32, %c0_i32_0 : i32, i32
  }
  func.func @transform_11(%arg0: i32) -> (i32, i32) {
    %c0_i32 = arith.constant 0 : i32
    %c0_i32_0 = arith.constant 0 : i32
    %c0_i32_1 = arith.constant 0 : i32
    return %c0_i32, %c0_i32_0 : i32, i32
  }
  func.func @transform_12(%arg0: i32) -> (i32, i32) {
    %c0_i32 = arith.constant 0 : i32
    %c0_i32_0 = arith.constant 0 : i32
    %c0_i32_1 = arith.constant 0 : i32
    return %c0_i32, %c0_i32_0 : i32, i32
  }
  func.func @transform_13(%arg0: i32) -> (i32, i32) {
    %c0_i32 = arith.constant 0 : i32
    %c0_i32_0 = arith.constant 0 : i32
    %c0_i32_1 = arith.constant 0 : i32
    return %c0_i32, %c0_i32_0 : i32, i32
  }
  func.func @transform_14(%arg0: i32) -> (i32, i32) {
    %c0_i32 = arith.constant 0 : i32
    %c0_i32_0 = arith.constant 0 : i32
    %c0_i32_1 = arith.constant 0 : i32
    return %c0_i32, %c0_i32_0 : i32, i32
  }
  func.func @transform_15(%arg0: i32) -> (i32, i32) {
    %c0_i32 = arith.constant 0 : i32
    %c0_i32_0 = arith.constant 0 : i32
    %c0_i32_1 = arith.constant 0 : i32
    return %c0_i32, %c0_i32_0 : i32, i32
  }
  func.func @transform_16(%arg0: i32) -> (i32, i32) {
    %c0_i32 = arith.constant 0 : i32
    %c0_i32_0 = arith.constant 0 : i32
    return %arg0, %c0_i32 : i32, i32
  }
}

</mosaic_0001>

<sc_bundles>
// kernel: kernel.5.cloned.1.call-start
scs
__scs_entry_jumppad:
0x0: {  	(pc) =	sbr.rel $0x88, $3  }
0x1: {  	(tag) =	ssettag $0x0;
	lr =	simm.s32 $0x1  }
0x2: {  	[smem:$0x3F8F] =	sst lr;
	_ =	strace $0xD0000000  }
0x3: {  	_ = 	snop  }
0x4: {  	_ = 	snop  }
0x5: {  	_ = 	snop  }
0x6: {  	_ = 	snop  }
0x7: {  	_ = 	snop  }
__scs_overlays_trampoline_lowered:
0x8: {  	[smem:$0x3F9E] =	sst s0  }
0x9: {  	[smem:$0x3F9F] =	sst s1  }
0xa: {  	[smem:$0x3FA0] =	sst s2  }
0xb: {  	[smem:$0x3FA1] =	sst s3  }
0xc: {  	[smem:$0x3FA2] =	sst s4  }
0xd: {  	[smem:$0x3FA3] =	sst s5  }
0xe: {  	[smem:$0x3FA4] =	sst s6  }
0xf: {  	[smem:$0x3FA5] =	sst s7  }
0x10: {  	[smem:$0x3FA6] =	sst s8  }
0x11: {  	[smem:$0x3FA7] =	sst s9;
	s0 =	simm.s32 @!p0 $0x0  }
0x12: {  	s1 =	sld [smem:$0x3F8D];
	s0 =	simm.s32 @p0 $0x1  }
0x13: {  	[smem:$0x3FA8] =	sst s0;
	s0 =	simm.s32 @!p1 $0x0  }
0x14: {  	s2 =	sld [smem:$0x3F8C];
	s0 =	simm.s32 @p1 $0x1  }
0x15: {  	[smem:$0x3FA9] =	sst s0;
	s0 =	simm.s32 @!p2 $0x0  }
0x16: {  	s3 =	sld [smem:$0x3FDB];
	s0 =	simm.s32 @p2 $0x1  }
0x17: {  	s4 =	simm.s32 $0x1BF5;
	[smem:$0x3FAB] =	sst s0  }
0x18: {  	s0 =	sld [smem:$0x3F8E];
	_ =	swait.ge [sflag:s4], $0x0  }
0x19: {  	s7 =	sld [smem:$0x3F8F]  }
0x1a: {  	s8 =	sadd.s32 $0xFFFFE003, lr  }
0x1b: {  	s9 =	sadd.s32 $0xFFFFFEF7, lr;
	s5 =	simm.s32 $0xFFFFFFFF;
	p2 =	slt.u32 s8, $0xFFFFF086  }
0x1c: {  	p1 =	slt.u32 s9, $0xF7A;
	s5 =	simm.s32 @!p2 $0x0  }
0x1d: {  	s5 =	simm.s32 @p1 $0x1;
	p0 =	seq.s32 s7, s2  }
0x1e: {  	s7 =	smul.u32 @!p0 $0xF7A, s2;
	p2 =	seq.s32 @!p0 s5, $0x0  }
0x1f: {  	s9 =	smul.u32 $0xF7A, s1;
	s8 =	simm.s32 @!p0 $0x1BF5;
	p2 =	por !p2, p0  }
0x20: {  	[sflag:s8] =	ssyncset.s32 @!p0 $0xFFFFF086;
	s6 =	sadd.s32 @!p0 s3, s7;
	s7 =	simm.s32 @!p0 $0x108  }
0x21: {  	s3 =	sadd.s32 s3, s9;
	s6 =	sadd.s32 @!p0 $0x88, s6;
	s7 =	simm.s32 @p2 $0x1082  }
0x22: {  	[simem:s7], [sflag:s8] =	dma.local @!p0 [hbm:s6], $0xF7A  }
0x23: {  	s9 =	sor.u32 $0xD0000000, s2;
	s6 =	simm.s32 $0x108;
	_ =	swait.ge @!p0 [sflag:s8], $0x0  }
0x24: {  	s3 =	sadd.s32 $0x88, s3;
	s6 =	simm.s32 @!p1 $0x1082;
	[sflag:s4] =	ssyncset.s32 $0xFFFFF086  }
0x25: {  	[simem:s6], [sflag:s4] =	dma.local [hbm:s3], $0xF7A  }
0x26: {  	[smem:$0x3F8F] =	sst s1;
	(tag) =	ssettag s2;
	_ =	strace s9  }
0x27: {  	s1 =	sld [smem:$0x3F9F]  }
0x28: {  	s2 =	sld [smem:$0x3FA0]  }
0x29: {  	s4 =	sld [smem:$0x3FA2]  }
0x2a: {  	p0 =	seq.s32 s5, $0x0;
	s5 =	sld [smem:$0x3FA3]  }
0x2b: {  	s6 =	sld [smem:$0x3FA4]  }
0x2c: {  	s7 =	sld [smem:$0x3FA5]  }
0x2d: {  	s3 =	simm.s32 $0x108;
	s8 =	sld [smem:$0x3FA6]  }
0x2e: {  	s3 =	simm.s32 @!p0 $0x1082;
	s9 =	sld [smem:$0x3FA7]  }
0x2f: {  	lr =	sadd.s32 s0, s3;
	s0 =	sld [smem:$0x3F9E]  }
0x30: {  	s3 =	sld [smem:$0x3FA1]  }
0x31: {  	[smem:$0x3FAA] =	sst s10  }
0x32: {  	s10 =	sld [smem:$0x3FA8];
	_ =	sdelay $0x3  }
0x33: {  	p0 =	seq.s32 s10, $0x1;
	s10 =	sld [smem:$0x3FAA];
	_ =	sdelay $0x3  }
0x34: {  	[smem:$0x3FAA] =	sst s10  }
0x35: {  	s10 =	sld [smem:$0x3FA9];
	_ =	sdelay $0x3  }
0x36: {  	p1 =	seq.s32 s10, $0x1;
	s10 =	sld [smem:$0x3FAA];
	_ =	sdelay $0x3  }
0x37: {  	[smem:$0x3FAA] =	sst s10  }
0x38: {  	s10 =	sld [smem:$0x3FAB]  }
0x39: {  	_ = 	snop;
	(pc) =	sbr.ind lr, $3  }
0x3a: {  	_ = 	snop  }
0x3b: {  	_ = 	snop  }
0x3c: {  	p2 =	seq.s32 s10, $0x1;
	s10 =	sld [smem:$0x3FAA]  }
0x3d: {  	_ =	shalt  }
0x3e: {  	_ =	shalt  }
0x3f: {  	_ =	shalt  }
0x40: {  	_ =	shalt  }
0x41: {  	_ =	shalt  }
0x42: {  	_ =	shalt  }
0x43: {  	_ =	shalt  }
0x44: {  	_ =	shalt  }
0x45: {  	_ =	shalt  }
0x46: {  	_ =	shalt  }
0x47: {  	_ =	shalt  }
0x48: {  	_ =	shalt  }
0x49: {  	_ =	shalt  }
0x4a: {  	_ =	shalt  }
0x4b: {  	_ =	shalt  }
0x4c: {  	_ =	shalt  }
0x4d: {  	_ =	shalt  }
0x4e: {  	_ =	shalt  }
0x4f: {  	_ =	shalt  }
0x50: {  	_ =	shalt  }
0x51: {  	_ =	shalt  }
0x52: {  	_ =	shalt  }
0x53: {  	_ =	shalt  }
0x54: {  	_ =	shalt  }
0x55: {  	_ =	shalt  }
0x56: {  	_ =	shalt  }
0x57: {  	_ =	shalt  }
0x58: {  	_ =	shalt  }
0x59: {  	_ =	shalt  }
0x5a: {  	_ =	shalt  }
0x5b: {  	_ =	shalt  }
0x5c: {  	_ =	shalt  }
0x5d: {  	_ =	shalt  }
0x5e: {  	_ =	shalt  }
0x5f: {  	_ =	shalt  }
0x60: {  	_ =	shalt  }
0x61: {  	_ =	shalt  }
0x62: {  	_ =	shalt  }
0x63: {  	_ =	shalt  }
0x64: {  	_ =	shalt  }
0x65: {  	_ =	shalt  }
0x66: {  	_ =	shalt  }
0x67: {  	_ =	shalt  }
0x68: {  	_ =	shalt  }
0x69: {  	_ =	shalt  }
0x6a: {  	_ =	shalt  }
0x6b: {  	_ =	shalt  }
0x6c: {  	_ =	shalt  }
0x6d: {  	_ =	shalt  }
0x6e: {  	_ =	shalt  }
0x6f: {  	_ =	shalt  }
0x70: {  	_ =	shalt  }
0x71: {  	_ =	shalt  }
0x72: {  	_ =	shalt  }
0x73: {  	_ =	shalt  }
0x74: {  	_ =	shalt  }
0x75: {  	_ =	shalt  }
0x76: {  	_ =	shalt  }
0x77: {  	_ =	shalt  }
0x78: {  	_ =	shalt  }
0x79: {  	_ =	shalt  }
0x7a: {  	_ =	shalt  }
0x7b: {  	_ =	shalt  }
0x7c: {  	_ =	shalt  }
0x7d: {  	_ =	shalt  }
0x7e: {  	_ =	shalt  }
0x7f: {  	_ =	shalt  }
0x80: {  	_ =	shalt  }
0x81: {  	_ =	shalt  }
0x82: {  	_ =	shalt  }
0x83: {  	_ =	shalt  }
0x84: {  	_ =	shalt  }
0x85: {  	_ =	shalt  }
0x86: {  	_ =	shalt  }
0x87: {  	_ =	shalt  }
.Lfunc_end0:
.L_simem_size_0:
called_computation_lowered:
.L_overlay_start_0:
0x88: {  	s2 =	sld [smem:$0x3FD9]  }
0x89: {  	s3 =	sld [smem:$0x3FFE];
	_ =	sdelay $0x1  }
0x8a: {  	s1 =	srdreg.scid  }
0x8b: {  	s0 =	sand.u32 $0x1, s1  }
0x8c: {  	s16 =	sshll.u32 s0, $0xA;
	s2 =	sadd.s32 s3, s2  }
0x8d: {  	s2 =	sadd.s32 s2, s16  }
0x8e: {  	[smem:$0x3FB6] =	sst s2  }
0x8f: {  	_ = 	snop  }
0x90: {  	(tm) =	ssettm $0x1  }
0x91: {  	s17 =	sld [smem:$0x3FFB];
	_ =	sdelay $0x3  }
0x92: {  	_ =	strace s17  }
0x93: {  	s2 =	sld [smem:$0x3FFC];
	_ =	sdelay $0x3  }
0x94: {  	_ =	strace s2  }
0x95: {  	s2 =	sld [smem:$0x3FFD];
	_ =	sdelay $0x3  }
0x96: {  	_ =	strace s2  }
0x97: {  	_ =	strace $0x8FFFFFFF  }
0x98: {  	s18 =	sld [smem:$0x3FDB];
	_ =	sdelay $0x1  }
0x99: {  	s19 =	simm.s32 $_scs_section_size  }
0x9a: {  	s4 =	simm.s32 $_size__tile_overlayer_lowered;
	s5 =	simm.s32 $_tile_overlayer_lowered  }
0x9b: {  	s22 =	simm.s32 $0x1BFF;
	s21 =	sshll.u32 s5, $0x1;
	s2 =	sadd.s32 s19, s18  }
0x9c: {  	s6 =	simm.s32 $0x0;
	s20 =	sshll.u32 s4, $0x1;
	s4 =	sadd.s32 s21, s2  }
0x9d: {  	[timem:s6], [sflag:s22] =	dma.local [hbm:s4], s20  }
0x9e: {  	_ =	swait.ge [sflag:s22], s20  }
0x9f: {  	s3 =	ssub.s32 $0x0, s20;
	[sflag:s22] =	ssyncset.done $0x0  }
0xa0: {  	[sflag:s22] =	ssyncadd.s32 s3;
	_ =	sdelay $0x1  }
0xa1: {  	s23 =	simm.s32 $0x1B8B  }
0xa2: {  	_ =	swait.ge [sflag:s23], $0x1  }
0xa3: {  	[sflag:s23] =	ssyncset.done $0x0  }
0xa4: {  	s25 =	simm.s32 $0x1B8E;
	s24 =	sld [smem:$0x3FFE];
	[sflag:s23] =	ssyncadd.s32 $0xFFFFFFFF  }
0xa5: {  	s26 =	simm.s32 $execute0_lowered;
	[smem:$0x3FD2] =	sst s25  }
0xa6: {  	s4 =	sshll.u32 s26, $0x1;
	_ =	strace $0x80000046;
	[dreg:$0x1] =	wrdreg $0xFFFFFFFF  }
0xa7: {  	s28 =	simm.s32 $_size_execute0_lowered;
	s2 =	sadd.s32 s2, s4;
	[dreg:$0x0] =	wrdreg $0x0  }
0xa8: {  	s4 =	sshll.u32 s28, $0x1;
	[dreg:$0x2] =	wrdreg s2  }
0xa9: {  	[dreg:$0x3] =	wrdreg s4  }
0xaa: {  	[dreg:$0x4] =	wrdreg $0xC0  }
0xab: {  	_ =	task [dreg:s6], $0x5FFFF  }
0xac: {  	[dreg:$0x1] =	wrdreg $0xFFFFFFFF  }
0xad: {  	[dreg:$0x0] =	wrdreg $0x60  }
0xae: {  	[dreg:$0x2] =	wrdreg s24  }
0xaf: {  	[dreg:$0x3] =	wrdreg $0x9  }
0xb0: {  	_ =	task.clear_ibuf [dreg:s6], $0x4FFFF;
	_ =	strace $0x90000046  }
0xb1: {  	s29 =	simm.s32 $0x9;
	_ =	strace $0x80000048  }
0xb2: {  	_ =	swait.ge [sflag:s29], $0x1  }
0xb3: {  	[sflag:s29] =	ssyncadd.s32 $0xFFFFFFFF  }
0xb4: {  	_ =	strace $0x90000048  }
0xb5: {  	_ =	sfence  }
0xb6: {  	s30 =	sld [smem:$0x0];
	_ =	sdelay $0x2  }
0xb7: {  	s31 =	sshll.u32 s1, $0xD;
	s1 =	sshrl.u32 s1, $0x2  }
0xb8: {  	s3 =	sand.u32 $0x4000, s31;
	s1 =	sadd.s32 s1, s30  }
0xb9: {  	s0 =	sor.u32 s3, s0;
	s1 =	sshll.u32 s1, $0x11  }
0xba: {  	s0 =	sor.u32 s1, s0  }
0xbb: {  	s0 =	sadd.s32 $0x8F2B, s0  }
0xbc: {  	[sflag:s0] =	ssyncadd.remote.s32 $0x1  }
0xbd: {  	_ =	sfence.sel $0xFFFF  }
0xbe: {  	[dreg:$0x0] =	wrdreg $0xFFFFFFFF;
	(pc) =	sbr.abs _section_cstart, $3  }
0xbf: {  	[dreg:$0x1] =	wrdreg $0xFFFFFFFF  }
0xc0: {  	_ =	task.clear_ibuf [dreg:s6], $0x2FFFF;
	_ =	strace $0x9FFFFFFF  }
0xc1: {  	(tm) =	ssettm $0x7FFFFFFF  }
tec
execute0_lowered:
.L_overlay_start_1:
0x0: {  	(tag) =	ssettag $0x1  }
0x1: {  	s0 =	srdreg.scid;
	s5 =	stileid.u32  }
0x2: {  	s1 =	rddreg [dreg:$0x0];
	s2 =	simm.s32 $0x0;
	s15 =	simm.s32 $0x900  }
0x3: {  	s17 =	simm.s32 $0x1100;
	s18 =	simm.s32 $0x1900;
	s19 =	simm.s32 $0x2100  }
0x4: {  	s21 =	simm.s32 $0x2900;
	s22 =	simm.s32 $0x3100;
	s23 =	simm.s32 $0x3900  }
0x5: {  	s24 =	simm.s32 $0x4100;
	s25 =	simm.s32 $0x4900;
	[smem:$0x7FF] =	sst s2  }
0x6: {  	s7 =	simm.s32 $0x100;
	_ =	strace $0x80000047;
	[dreg:$0x3] =	wrdreg s15  }
0x7: {  	s26 =	simm.s32 $0x5100;
	s8 =	simm.s32 $0x5900;
	[dreg:$0x4] =	wrdreg s17  }
0x8: {  	s9 =	simm.s32 $0x6100;
	s10 =	simm.s32 $0x6900;
	[dreg:$0x5] =	wrdreg s18  }
0x9: {  	s11 =	simm.s32 $0x7100;
	s12 =	simm.s32 $0x7900;
	[dreg:$0x6] =	wrdreg s19  }
0xa: {  	s13 =	simm.s32 $0x8100;
	s28 =	simm.s32 $0xF100;
	[dreg:$0x7] =	wrdreg s21  }
0xb: {  	s29 =	simm.s32 $0xF900;
	s30 =	simm.s32 $0x1;
	[dreg:$0x8] =	wrdreg s22  }
0xc: {  	s31 =	simm.s32 $0x0;
	s0 =	sand.u32 $0x1, s0;
	[dreg:$0x9] =	wrdreg s23  }
0xd: {  	s3 =	sshll.u32 s5, $0xD;
	s5 =	sshll.u32 s5, $0x12;
	[dreg:$0xa] =	wrdreg s24  }
0xe: {  	s4 =	sshll.u32 s0, $0xC;
	s16 =	ssub.s32 $0x2, s0;
	[dreg:$0xb] =	wrdreg s25  }
0xf: {  	s0 =	sshll.u32 s0, $0x11;
	[dreg:$0xc] =	wrdreg s26;
	s15 =	simm.s32 $0x9100  }
0x10: {  	s17 =	simm.s32 $0xA100;
	s18 =	simm.s32 $0xA900;
	s19 =	simm.s32 $0xB100  }
0x11: {  	s21 =	simm.s32 $0xC100;
	s22 =	simm.s32 $0xC900;
	s23 =	simm.s32 $0xD100  }
0x12: {  	s24 =	simm.s32 $0xD900;
	s25 =	simm.s32 $0xE100;
	s3 =	sor.u32 s4, s3  }
0x13: {  	s26 =	simm.s32 $0xE900;
	s6 =	sshrl.u32 s16, $0x1;
	s3 =	sshrl.u32 s3, $0x3  }
0x14: {  	s14 =	sadd.s32 s3, s1;
	s3 =	sadd.s32 $0xC00, s1;
	s1 =	sadd.s32 s5, s1  }
0x15: {  	s5 =	ssub.s32 s16, s6;
	s6 =	simm.s32 $0x2;
	s4 =	sadd.s32 $0x61CC00, s14  }
0x16: {  	v2 =	vlaneseq.u32;
	s20 =	smax.u32 s5, $0x1;
	s0 =	sadd.s32 s0, s1;
	[dreg:$0x2] =	wrdreg s4  }
0x17: {  	vm0 =	vmmov $0xffff;
	v1 =	vshrl.u32 v2, $0x3;
	s16 =	simm.s32 $0x9900;
	[dreg:$0xd] =	wrdreg s20;
	s0 =	sadd.s32 $0x187600, s0  }
0x18: {  	v0 =	vand.u32 $0x7, v2;
	v2 =	vor.u32 $0x8, v2;
	v1 =	vmul.u32 $0x8, v1;
	s14 =	simm.s32 $0x8900;
	s20 =	simm.s32 $0xB900;
	[dreg:$0xe] =	wrdreg s0  }
.LBB2_1:
0x19: {  	s5 =	rddreg [dreg:$0xe];
	s0 =	simm.s32 $0x0  }
.LBB2_2:
0x1a: {  	s4 =	rddreg [dreg:$0x2]  }
0x1b: {  	s4 =	sadd.s32 s0, s4  }
0x1c: {  	[tilespmem:s2], [sflag:$0x2] =	stream.linear.gather [hbm4b:s4+s2], $0x100, $0x38;
	[tilespmem:$0x10100] =	vst v63  }
0x1d: {  	_ =	swait.ge [sflag:s6], $0x100  }
0x1e: {  	[sflag:s6] =	ssyncset.done $0x0  }
0x1f: {  	[sflag:s6] =	ssyncadd.s32 $0xFFFFFF00  }
0x20: {  	v3 =	vld [tilespmem:$0x0];
	_ =	sdelay $0x4  }
0x21: {  	v4 =	vshll.u32 v3, $0x1  }
0x22: {  	v3 =	vand.u32 $0x7, v3;
	v4 =	vand.u32 $0xFFFFFFF0, v4  }
0x23: {  	v3 =	vor.u32 v3, v4  }
0x24: {  	v4 =	vperm.xlane v3, v0;
	_ =	sdelay $0x1  }
0x25: {  	v3 =	vperm.xlane v3, v2;
	v4 =	vadd.s32 v1, v4;
	_ =	sdelay $0x1  }
0x26: {  	v3 =	vadd.s32 v1, v3;
	_ =	sdelay $0x2  }
0x27: {  	[tilespmem:s7], [sflag:$0x1] =	stream.indirect_vreg.gather [hbm4b:s3+s2], $0x80, v4, vm0, $0xb8;
	[tilespmem:$0x10100] =	vst v63  }
0x28: {  	s1 =	rddreg [dreg:$0x3]  }
0x29: {  	[tilespmem:s1], [sflag:$0x1] =	stream.indirect_vreg.gather [hbm4b:s3+s2], $0x80, v3, vm0, $0xb8;
	[tilespmem:$0x10100] =	vst v63  }
0x2a: {  	v3 =	vld [tilespmem:$0x10];
	_ =	sdelay $0x4  }
0x2b: {  	v49 =	vshll.u32 v3, $0x1  }
0x2c: {  	v3 =	vand.u32 $0x7, v3;
	v4 =	vand.u32 $0xFFFFFFF0, v49  }
0x2d: {  	v3 =	vor.u32 v3, v4  }
0x2e: {  	v4 =	vperm.xlane v3, v0;
	_ =	sdelay $0x1  }
0x2f: {  	v3 =	vperm.xlane v3, v2;
	v4 =	vadd.s32 v1, v4;
	_ =	sdelay $0x1  }
0x30: {  	v3 =	vadd.s32 v1, v3;
	_ =	sdelay $0x1  }
0x31: {  	s4 =	rddreg [dreg:$0x4]  }
0x32: {  	[tilespmem:s4], [sflag:$0x1] =	stream.indirect_vreg.gather [hbm4b:s3+s2], $0x80, v4, vm0, $0xb8;
	[tilespmem:$0x10100] =	vst v63  }
0x33: {  	s1 =	rddreg [dreg:$0x5]  }
0x34: {  	[tilespmem:s1], [sflag:$0x1] =	stream.indirect_vreg.gather [hbm4b:s3+s2], $0x80, v3, vm0, $0xb8;
	[tilespmem:$0x10100] =	vst v63  }
0x35: {  	v3 =	vld [tilespmem:$0x20];
	_ =	sdelay $0x4  }
0x36: {  	v50 =	vshll.u32 v3, $0x1  }
0x37: {  	v3 =	vand.u32 $0x7, v3;
	v4 =	vand.u32 $0xFFFFFFF0, v50  }
0x38: {  	v3 =	vor.u32 v3, v4  }
0x39: {  	v4 =	vperm.xlane v3, v0;
	_ =	sdelay $0x1  }
0x3a: {  	v3 =	vperm.xlane v3, v2;
	v4 =	vadd.s32 v1, v4;
	_ =	sdelay $0x1  }
0x3b: {  	v3 =	vadd.s32 v1, v3;
	_ =	sdelay $0x1  }
0x3c: {  	s1 =	rddreg [dreg:$0x6]  }
0x3d: {  	[tilespmem:s1], [sflag:$0x1] =	stream.indirect_vreg.gather [hbm4b:s3+s2], $0x80, v4, vm0, $0xb8;
	[tilespmem:$0x10100] =	vst v63  }
0x3e: {  	s4 =	rddreg [dreg:$0x7]  }
0x3f: {  	[tilespmem:s4], [sflag:$0x1] =	stream.indirect_vreg.gather [hbm4b:s3+s2], $0x80, v3, vm0, $0xb8;
	[tilespmem:$0x10100] =	vst v63  }
0x40: {  	v3 =	vld [tilespmem:$0x30];
	_ =	sdelay $0x4  }
0x41: {  	v51 =	vshll.u32 v3, $0x1  }
0x42: {  	v3 =	vand.u32 $0x7, v3;
	v4 =	vand.u32 $0xFFFFFFF0, v51  }
0x43: {  	v3 =	vor.u32 v3, v4  }
0x44: {  	v4 =	vperm.xlane v3, v0;
	_ =	sdelay $0x1  }
0x45: {  	v3 =	vperm.xlane v3, v2;
	v4 =	vadd.s32 v1, v4;
	_ =	sdelay $0x1  }
0x46: {  	v3 =	vadd.s32 v1, v3;
	_ =	sdelay $0x1  }
0x47: {  	s1 =	rddreg [dreg:$0x8]  }
0x48: {  	[tilespmem:s1], [sflag:$0x1] =	stream.indirect_vreg.gather [hbm4b:s3+s2], $0x80, v4, vm0, $0xb8;
	[tilespmem:$0x10100] =	vst v63  }
0x49: {  	s4 =	rddreg [dreg:$0x9]  }
0x4a: {  	[tilespmem:s4], [sflag:$0x1] =	stream.indirect_vreg.gather [hbm4b:s3+s2], $0x80, v3, vm0, $0xb8;
	[tilespmem:$0x10100] =	vst v63  }
0x4b: {  	v3 =	vld [tilespmem:$0x40];
	_ =	sdelay $0x4  }
0x4c: {  	v52 =	vshll.u32 v3, $0x1  }
0x4d: {  	v3 =	vand.u32 $0x7, v3;
	v4 =	vand.u32 $0xFFFFFFF0, v52  }
0x4e: {  	v3 =	vor.u32 v3, v4  }
0x4f: {  	v4 =	vperm.xlane v3, v0;
	_ =	sdelay $0x1  }
0x50: {  	v3 =	vperm.xlane v3, v2;
	v4 =	vadd.s32 v1, v4;
	_ =	sdelay $0x1  }
0x51: {  	v3 =	vadd.s32 v1, v3;
	_ =	sdelay $0x1  }
0x52: {  	s1 =	rddreg [dreg:$0xa]  }
0x53: {  	[tilespmem:s1], [sflag:$0x1] =	stream.indirect_vreg.gather [hbm4b:s3+s2], $0x80, v4, vm0, $0xb8;
	[tilespmem:$0x10100] =	vst v63  }
0x54: {  	s4 =	rddreg [dreg:$0xb]  }
0x55: {  	[tilespmem:s4], [sflag:$0x1] =	stream.indirect_vreg.gather [hbm4b:s3+s2], $0x80, v3, vm0, $0xb8;
	[tilespmem:$0x10100] =	vst v63  }
0x56: {  	v3 =	vld [tilespmem:$0x50];
	_ =	sdelay $0x4  }
0x57: {  	v53 =	vshll.u32 v3, $0x1  }
0x58: {  	v3 =	vand.u32 $0x7, v3;
	v4 =	vand.u32 $0xFFFFFFF0, v53  }
0x59: {  	v3 =	vor.u32 v3, v4  }
0x5a: {  	v4 =	vperm.xlane v3, v0;
	_ =	sdelay $0x1  }
0x5b: {  	v3 =	vperm.xlane v3, v2;
	v4 =	vadd.s32 v1, v4;
	_ =	sdelay $0x1  }
0x5c: {  	v3 =	vadd.s32 v1, v3;
	_ =	sdelay $0x1  }
0x5d: {  	s4 =	rddreg [dreg:$0xc]  }
0x5e: {  	[tilespmem:s4], [sflag:$0x1] =	stream.indirect_vreg.gather [hbm4b:s3+s2], $0x80, v4, vm0, $0xb8;
	[tilespmem:$0x10100] =	vst v63  }
0x5f: {  	_ = 	snop  }
0x60: {  	[tilespmem:s8], [sflag:$0x1] =	stream.indirect_vreg.gather [hbm4b:s3+s2], $0x80, v3, vm0, $0xb8;
	[tilespmem:$0x10100] =	vst v63  }
0x61: {  	v3 =	vld [tilespmem:$0x60];
	_ =	sdelay $0x4  }
0x62: {  	v54 =	vshll.u32 v3, $0x1  }
0x63: {  	v3 =	vand.u32 $0x7, v3;
	v4 =	vand.u32 $0xFFFFFFF0, v54  }
0x64: {  	v3 =	vor.u32 v3, v4  }
0x65: {  	v4 =	vperm.xlane v3, v0;
	_ =	sdelay $0x1  }
0x66: {  	v3 =	vperm.xlane v3, v2;
	v4 =	vadd.s32 v1, v4;
	_ =	sdelay $0x1  }
0x67: {  	v3 =	vadd.s32 v1, v3;
	_ =	sdelay $0x2  }
0x68: {  	[tilespmem:s9], [sflag:$0x1] =	stream.indirect_vreg.gather [hbm4b:s3+s2], $0x80, v4, vm0, $0xb8;
	[tilespmem:$0x10100] =	vst v63  }
0x69: {  	_ = 	snop  }
0x6a: {  	[tilespmem:s10], [sflag:$0x1] =	stream.indirect_vreg.gather [hbm4b:s3+s2], $0x80, v3, vm0, $0xb8;
	[tilespmem:$0x10100] =	vst v63  }
0x6b: {  	v3 =	vld [tilespmem:$0x70];
	_ =	sdelay $0x4  }
0x6c: {  	v55 =	vshll.u32 v3, $0x1  }
0x6d: {  	v3 =	vand.u32 $0x7, v3;
	v4 =	vand.u32 $0xFFFFFFF0, v55  }
0x6e: {  	v3 =	vor.u32 v3, v4  }
0x6f: {  	v4 =	vperm.xlane v3, v0;
	_ =	sdelay $0x1  }
0x70: {  	v3 =	vperm.xlane v3, v2;
	v4 =	vadd.s32 v1, v4;
	_ =	sdelay $0x1  }
0x71: {  	v3 =	vadd.s32 v1, v3;
	_ =	sdelay $0x2  }
0x72: {  	[tilespmem:s11], [sflag:$0x1] =	stream.indirect_vreg.gather [hbm4b:s3+s2], $0x80, v4, vm0, $0xb8;
	[tilespmem:$0x10100] =	vst v63  }
0x73: {  	_ = 	snop  }
0x74: {  	[tilespmem:s12], [sflag:$0x1] =	stream.indirect_vreg.gather [hbm4b:s3+s2], $0x80, v3, vm0, $0xb8;
	[tilespmem:$0x10100] =	vst v63  }
0x75: {  	v3 =	vld [tilespmem:$0x80];
	_ =	sdelay $0x4  }
0x76: {  	v56 =	vshll.u32 v3, $0x1  }
0x77: {  	v3 =	vand.u32 $0x7, v3;
	v4 =	vand.u32 $0xFFFFFFF0, v56  }
0x78: {  	v3 =	vor.u32 v3, v4  }
0x79: {  	v4 =	vperm.xlane v3, v0;
	_ =	sdelay $0x1  }
0x7a: {  	v3 =	vperm.xlane v3, v2;
	v4 =	vadd.s32 v1, v4;
	_ =	sdelay $0x1  }
0x7b: {  	v3 =	vadd.s32 v1, v3;
	_ =	sdelay $0x2  }
0x7c: {  	[tilespmem:s13], [sflag:$0x1] =	stream.indirect_vreg.gather [hbm4b:s3+s2], $0x80, v4, vm0, $0xb8;
	[tilespmem:$0x10100] =	vst v63  }
0x7d: {  	_ = 	snop  }
0x7e: {  	[tilespmem:s14], [sflag:$0x1] =	stream.indirect_vreg.gather [hbm4b:s3+s2], $0x80, v3, vm0, $0xb8;
	[tilespmem:$0x10100] =	vst v63  }
0x7f: {  	v3 =	vld [tilespmem:$0x90];
	_ =	sdelay $0x4  }
0x80: {  	v57 =	vshll.u32 v3, $0x1  }
0x81: {  	v3 =	vand.u32 $0x7, v3;
	v4 =	vand.u32 $0xFFFFFFF0, v57  }
0x82: {  	v3 =	vor.u32 v3, v4  }
0x83: {  	v4 =	vperm.xlane v3, v0;
	_ =	sdelay $0x1  }
0x84: {  	v3 =	vperm.xlane v3, v2;
	v4 =	vadd.s32 v1, v4;
	_ =	sdelay $0x1  }
0x85: {  	v3 =	vadd.s32 v1, v3;
	_ =	sdelay $0x2  }
0x86: {  	[tilespmem:s15], [sflag:$0x1] =	stream.indirect_vreg.gather [hbm4b:s3+s2], $0x80, v4, vm0, $0xb8;
	[tilespmem:$0x10100] =	vst v63  }
0x87: {  	_ = 	snop  }
0x88: {  	[tilespmem:s16], [sflag:$0x1] =	stream.indirect_vreg.gather [hbm4b:s3+s2], $0x80, v3, vm0, $0xb8;
	[tilespmem:$0x10100] =	vst v63  }
0x89: {  	v3 =	vld [tilespmem:$0xA0];
	_ =	sdelay $0x4  }
0x8a: {  	v58 =	vshll.u32 v3, $0x1  }
0x8b: {  	v3 =	vand.u32 $0x7, v3;
	v4 =	vand.u32 $0xFFFFFFF0, v58  }
0x8c: {  	v3 =	vor.u32 v3, v4  }
0x8d: {  	v4 =	vperm.xlane v3, v0;
	_ =	sdelay $0x1  }
0x8e: {  	v3 =	vperm.xlane v3, v2;
	v4 =	vadd.s32 v1, v4;
	_ =	sdelay $0x1  }
0x8f: {  	v3 =	vadd.s32 v1, v3;
	_ =	sdelay $0x2  }
0x90: {  	[tilespmem:s17], [sflag:$0x1] =	stream.indirect_vreg.gather [hbm4b:s3+s2], $0x80, v4, vm0, $0xb8;
	[tilespmem:$0x10100] =	vst v63  }
0x91: {  	_ = 	snop  }
0x92: {  	[tilespmem:s18], [sflag:$0x1] =	stream.indirect_vreg.gather [hbm4b:s3+s2], $0x80, v3, vm0, $0xb8;
	[tilespmem:$0x10100] =	vst v63  }
0x93: {  	v3 =	vld [tilespmem:$0xB0];
	_ =	sdelay $0x4  }
0x94: {  	v59 =	vshll.u32 v3, $0x1  }
0x95: {  	v3 =	vand.u32 $0x7, v3;
	v4 =	vand.u32 $0xFFFFFFF0, v59  }
0x96: {  	v3 =	vor.u32 v3, v4  }
0x97: {  	v4 =	vperm.xlane v3, v0;
	_ =	sdelay $0x1  }
0x98: {  	v3 =	vperm.xlane v3, v2;
	v4 =	vadd.s32 v1, v4;
	_ =	sdelay $0x1  }
0x99: {  	v3 =	vadd.s32 v1, v3;
	_ =	sdelay $0x2  }
0x9a: {  	[tilespmem:s19], [sflag:$0x1] =	stream.indirect_vreg.gather [hbm4b:s3+s2], $0x80, v4, vm0, $0xb8;
	[tilespmem:$0x10100] =	vst v63  }
0x9b: {  	_ = 	snop  }
0x9c: {  	[tilespmem:s20], [sflag:$0x1] =	stream.indirect_vreg.gather [hbm4b:s3+s2], $0x80, v3, vm0, $0xb8;
	[tilespmem:$0x10100] =	vst v63  }
0x9d: {  	v3 =	vld [tilespmem:$0xC0];
	_ =	sdelay $0x4  }
0x9e: {  	v60 =	vshll.u32 v3, $0x1  }
0x9f: {  	v3 =	vand.u32 $0x7, v3;
	v4 =	vand.u32 $0xFFFFFFF0, v60  }
0xa0: {  	v3 =	vor.u32 v3, v4  }
0xa1: {  	v4 =	vperm.xlane v3, v0;
	_ =	sdelay $0x1  }
0xa2: {  	v3 =	vperm.xlane v3, v2;
	v4 =	vadd.s32 v1, v4;
	_ =	sdelay $0x1  }
0xa3: {  	v3 =	vadd.s32 v1, v3;
	_ =	sdelay $0x2  }
0xa4: {  	[tilespmem:s21], [sflag:$0x1] =	stream.indirect_vreg.gather [hbm4b:s3+s2], $0x80, v4, vm0, $0xb8;
	[tilespmem:$0x10100] =	vst v63  }
0xa5: {  	_ = 	snop  }
0xa6: {  	[tilespmem:s22], [sflag:$0x1] =	stream.indirect_vreg.gather [hbm4b:s3+s2], $0x80, v3, vm0, $0xb8;
	[tilespmem:$0x10100] =	vst v63  }
0xa7: {  	v3 =	vld [tilespmem:$0xD0];
	_ =	sdelay $0x4  }
0xa8: {  	v61 =	vshll.u32 v3, $0x1  }
0xa9: {  	v3 =	vand.u32 $0x7, v3;
	v4 =	vand.u32 $0xFFFFFFF0, v61  }
0xaa: {  	v3 =	vor.u32 v3, v4  }
0xab: {  	v4 =	vperm.xlane v3, v0;
	_ =	sdelay $0x1  }
0xac: {  	v3 =	vperm.xlane v3, v2;
	v4 =	vadd.s32 v1, v4;
	_ =	sdelay $0x1  }
0xad: {  	v3 =	vadd.s32 v1, v3;
	_ =	sdelay $0x2  }
0xae: {  	[tilespmem:s23], [sflag:$0x1] =	stream.indirect_vreg.gather [hbm4b:s3+s2], $0x80, v4, vm0, $0xb8;
	[tilespmem:$0x10100] =	vst v63  }
0xaf: {  	_ = 	snop  }
0xb0: {  	[tilespmem:s24], [sflag:$0x1] =	stream.indirect_vreg.gather [hbm4b:s3+s2], $0x80, v3, vm0, $0xb8;
	[tilespmem:$0x10100] =	vst v63  }
0xb1: {  	v3 =	vld [tilespmem:$0xE0];
	_ =	sdelay $0x4  }
0xb2: {  	v62 =	vshll.u32 v3, $0x1  }
0xb3: {  	v3 =	vand.u32 $0x7, v3;
	v4 =	vand.u32 $0xFFFFFFF0, v62  }
0xb4: {  	v3 =	vor.u32 v3, v4  }
0xb5: {  	v4 =	vperm.xlane v3, v0;
	_ =	sdelay $0x1  }
0xb6: {  	v3 =	vperm.xlane v3, v2;
	v4 =	vadd.s32 v1, v4;
	_ =	sdelay $0x1  }
0xb7: {  	v3 =	vadd.s32 v1, v3;
	_ =	sdelay $0x2  }
0xb8: {  	[tilespmem:s25], [sflag:$0x1] =	stream.indirect_vreg.gather [hbm4b:s3+s2], $0x80, v4, vm0, $0xb8;
	[tilespmem:$0x10100] =	vst v63  }
0xb9: {  	_ = 	snop  }
0xba: {  	[tilespmem:s26], [sflag:$0x1] =	stream.indirect_vreg.gather [hbm4b:s3+s2], $0x80, v3, vm0, $0xb8;
	[tilespmem:$0x10100] =	vst v63  }
0xbb: {  	v3 =	vld [tilespmem:$0xF0];
	_ =	sdelay $0x4  }
0xbc: {  	v63 =	vshll.u32 v3, $0x1  }
0xbd: {  	v3 =	vand.u32 $0x7, v3;
	v4 =	vand.u32 $0xFFFFFFF0, v63  }
0xbe: {  	v3 =	vor.u32 v3, v4  }
0xbf: {  	v4 =	vperm.xlane v3, v0;
	_ =	sdelay $0x1  }
0xc0: {  	v3 =	vperm.xlane v3, v2;
	v4 =	vadd.s32 v1, v4;
	_ =	sdelay $0x1  }
0xc1: {  	v3 =	vadd.s32 v1, v3;
	_ =	sdelay $0x2  }
0xc2: {  	[tilespmem:s28], [sflag:$0x1] =	stream.indirect_vreg.gather [hbm4b:s3+s2], $0x80, v4, vm0, $0xb8;
	[tilespmem:$0x10100] =	vst v63  }
0xc3: {  	_ = 	snop  }
0xc4: {  	[tilespmem:s29], [sflag:$0x1] =	stream.indirect_vreg.gather [hbm4b:s3+s2], $0x80, v3, vm0, $0xb8;
	[tilespmem:$0x10100] =	vst v63  }
0xc5: {  	_ =	swait.ge [sflag:s30], $0x10000  }
0xc6: {  	p0 =	sne.s32 s0, $0x1E0;
	[sflag:s30] =	ssyncset.done $0x0  }
.Ltmp0:
0xc7: {  	[sflag:s30] =	ssyncadd.s32 $0xFFFF0000;
	(pc) =	sbr.rel @p0 .LBB2_2-.Ltmp0, $4  }
0xc8: {  	[hbm4b:s5+s2] =	stream.linear.scatter [tilespmem:s7], [sflag:$0x2], $0x10000, $0x38;
	[tilespmem:$0x10100] =	vst v63  }
0xc9: {  	_ =	swait.ge [sflag:s6], $0x10000  }
0xca: {  	[sflag:s6] =	ssyncset.done $0x0  }
0xcb: {  	s0 =	sadd.s32 $0x20, s0;
	s5 =	sadd.s32 $0x2000, s5;
	[sflag:s6] =	ssyncadd.s32 $0xFFFF0000  }
0xcc: {  	s31 =	sadd.s32 $0x1, s31;
	s0 =	rddreg [dreg:$0xd]  }
0xcd: {  	p0 =	sne.s32 s31, s0  }
.Ltmp1:
0xce: {  	_ = 	snop;
	(pc) =	sbr.rel @p0 .LBB2_1-.Ltmp1, $1  }
0xcf: {  	_ =	sdelay $0x3  }
0xd0: {  	_ =	sfence.sel $0x180000  }
0xd1: {  	[bflag:$0x0] =	sbarrier.arrive $0xFFFF  }
0xd2: {  	_ =	strace $0x90000047  }
0xd3: {  	s0 =	stileid.u32;
	[bflag:$0x2] =	sbarrier.arrive $0xFFFF  }
0xd4: {  	p0 =	sne.s32 s0, $0x0;
	s0 =	rddreg [dreg:$0x1]  }
0xd5: {  	s0 =	sadd.s32 @!p0 $0x100000, s0  }
0xd6: {  	[sflag:s0] =	ssyncadd.tile.s32 @!p0 $0x1;
	_ =	shalt  }
.Lfunc_end2:
_tile_overlayer_lowered:
.L_overlay_start_2:
0xd7: {  	(tag) =	ssettag $0x2  }
0xd8: {  	s0 =	rddreg [dreg:$0x0];
	s2 =	stileid.u32  }
0xd9: {  	s1 =	rddreg [dreg:$0x1];
	p0 =	sne.s32 s2, $0x0  }
0xda: {  	s3 =	rddreg [dreg:$0x2];
	[bflag:$0x3] =	sbarrier.arrive $0xFFFF;
	s2 =	simm.s32 @!p0 $0x1C02  }
0xdb: {  	[timem:s3], [sflag:s2] =	dma.local @!p0 [hbm:s0], s1  }
0xdc: {  	s0 =	simm.s32 @!p0 $0x2  }
0xdd: {  	_ =	swait.ge @!p0 [sflag:s0], s1  }
0xde: {  	s1 =	ssub.s32 @!p0 $0x0, s1;
	[sflag:s0] =	ssyncset.done @!p0 $0x0  }
0xdf: {  	[sflag:s0] =	ssyncadd.s32 @!p0 s1  }
0xe0: {  	[bflag:$0x3] =	sbarrier.arrive $0xFFFF  }
0xe1: {  	_ =	shalt  }

</sc_bundles>
